<compile_context>
chip_gen: v7x
topology: tpu7x:2x2x1
jax: 0.10.2.dev20260603
libtpu: 0.0.44.dev20260713+nightly
codegen_flags: <defaults>
</compile_context>

<pallas_src>
import jax
import jax.numpy as jnp
from jax import lax
from jax.experimental import pallas as pl
from jax.experimental.pallas import tpu as pltpu
from jax.experimental.pallas import tpu_sc as plsc

N_NODES = 10000
N_PAD = 10240
D = 128
N_EDGES = 320000
NC, NS = 2, 16
NW = NC * NS
CHUNK = 128
CPT = 79
E_PER_W = CPT * CHUNK
E_PAD = NW * E_PER_W
ROWS_PER_TILE = N_PAD // NS
ZCH = 128
NBUF = 2
KSPLIT = 4
KROWS = CHUNK // KSPLIT
N_ACC = 10112


def _sc_body(feat_hbm, src_hbm, dst_hbm, adj_hbm, out_hbm,
             eidx_b, adjv_b, grows_b, zbuf, acc, sem_idx, sem_g):
    cid = lax.axis_index("c")
    sid = lax.axis_index("s")
    wid = cid * NS + sid
    tile_base = wid * E_PER_W

    def _idx_start(chunk, slot):
        base = tile_base + chunk * CHUNK
        pltpu.async_copy(src_hbm.at[pl.ds(base, CHUNK)], eidx_b.at[slot, 0],
                         sem_idx.at[slot])
        pltpu.async_copy(dst_hbm.at[pl.ds(base, CHUNK)], eidx_b.at[slot, 1],
                         sem_idx.at[slot])
        pltpu.async_copy(adj_hbm.at[pl.ds(base, CHUNK)], adjv_b.at[slot],
                         sem_idx.at[slot])

    def _idx_wait(slot):
        pltpu.make_async_copy(src_hbm.at[pl.ds(0, CHUNK)],
                              eidx_b.at[slot, 0], sem_idx.at[slot]).wait()
        pltpu.make_async_copy(dst_hbm.at[pl.ds(0, CHUNK)],
                              eidx_b.at[slot, 1], sem_idx.at[slot]).wait()
        pltpu.make_async_copy(adj_hbm.at[pl.ds(0, CHUNK)],
                              adjv_b.at[slot], sem_idx.at[slot]).wait()

    def _gather_start(slot):
        for k in range(KSPLIT):
            pltpu.async_copy(
                feat_hbm.at[eidx_b.at[slot, 0, pl.ds(k * KROWS, KROWS)]],
                grows_b.at[slot, pl.ds(k * KROWS, KROWS)], sem_g.at[slot])

    def _gather_wait(slot):
        for k in range(KSPLIT):
            pltpu.make_async_copy(
                feat_hbm.at[eidx_b.at[slot, 0, pl.ds(k * KROWS, KROWS)]],
                grows_b.at[slot, pl.ds(k * KROWS, KROWS)],
                sem_g.at[slot]).wait()

    def _zrow(r, _):
        for j in range(D // 16):
            zbuf[r, pl.ds(j * 16, 16)] = jnp.zeros((16,), jnp.float32)
        return _
    lax.fori_loop(0, ZCH, _zrow, 0)
    row0 = sid * ROWS_PER_TILE
    for z in range(ROWS_PER_TILE // ZCH):
        r = row0 + z * ZCH

        @pl.when(r + ZCH <= N_ACC)
        def _zc():
            pltpu.async_copy(zbuf, acc.at[pl.ds(r, ZCH)], sem_g.at[0])
            pltpu.make_async_copy(zbuf, acc.at[pl.ds(r, ZCH)],
                                  sem_g.at[0]).wait()
    plsc.subcore_barrier()

    for s in range(NBUF):
        _idx_start(s, s)
    for s in range(NBUF - 1):
        _idx_wait(s)
        _gather_start(s)

    def _step(g, carry):
        b = g % NBUF
        _gather_wait(b)

        @pl.when(g + NBUF - 1 < CPT)
        def _prefetch_gather():
            nb = (g + NBUF - 1) % NBUF
            _idx_wait(nb)
            _gather_start(nb)


        @pl.when(g + NBUF < CPT)
        def _prefetch_idx():
            _idx_start(g + NBUF, b)
        return carry
    lax.fori_loop(0, CPT, _step, 0)
    plsc.subcore_barrier()

    for z in range(ROWS_PER_TILE // ZCH):
        r = row0 + z * ZCH

        @pl.when(r + ZCH <= N_ACC)
        def _oc():
            pltpu.async_copy(acc.at[pl.ds(r, ZCH)],
                             out_hbm.at[cid, pl.ds(r, ZCH)], sem_g.at[1])
            pltpu.make_async_copy(acc.at[pl.ds(r, ZCH)],
                                  out_hbm.at[cid, pl.ds(r, ZCH)],
                                  sem_g.at[1]).wait()


_sc_aggregate = pl.kernel(
    _sc_body,
    out_type=jax.ShapeDtypeStruct((NC, N_PAD, D), jnp.float32),
    mesh=plsc.VectorSubcoreMesh(core_axis_name="c", subcore_axis_name="s"),
    compiler_params=pltpu.CompilerParams(needs_layout_passes=False, use_tc_tiling_on_sc=False),
    scratch_types=[
        pltpu.VMEM((NBUF, 2, CHUNK), jnp.int32),
        pltpu.VMEM((NBUF, CHUNK), jnp.float32),
        pltpu.VMEM((NBUF, CHUNK, D // 2), jnp.float32),
        pltpu.VMEM((ZCH, D), jnp.float32),
        pltpu.VMEM_SHARED((N_ACC, D), jnp.float32),
        pltpu.SemaphoreType.DMA((NBUF,)),
        pltpu.SemaphoreType.DMA((NBUF,)),
    ],
)

_TC_BLOCK = 2048


def _tc_body(p_ref, w_ref, o_ref):
    x = p_ref[0] + p_ref[1]
    o_ref[...] = jnp.maximum(
        jnp.dot(x, w_ref[...], preferred_element_type=jnp.float32), 0.0)


def _tc_matmul(partial, W):
    grid = N_PAD // _TC_BLOCK
    return pl.pallas_call(
        _tc_body,
        grid=(grid,),
        in_specs=[
            pl.BlockSpec((NC, _TC_BLOCK, D), lambda i: (0, i, 0)),
            pl.BlockSpec((D, D), lambda i: (0, 0)),
        ],
        out_specs=pl.BlockSpec((_TC_BLOCK, D), lambda i: (i, 0)),
        out_shape=jax.ShapeDtypeStruct((N_PAD, D), jnp.float32),
    )(partial, W)


@jax.jit
def kernel(features, edge_index, adj_values, W):
    pad = E_PAD - N_EDGES
    eidx = jnp.concatenate(
        [edge_index, jnp.zeros((2, pad), edge_index.dtype)], axis=1)
    adj = jnp.concatenate(
        [adj_values, jnp.zeros((pad,), adj_values.dtype)])
    partial = _sc_aggregate(features.reshape(2 * N_NODES, D // 2),
                            eidx[0] * 2, eidx[1], adj)
    return _tc_matmul(partial, W)[:N_NODES]

# --- scband reference (transcript-rebuilt; emitter-appended) ---
"""Pipeline reference for scband-graph-convolution-sparse-83528523973324 (READ-ONLY COPY).

The authoritative reference and input builder live on the scoring server;
editing this copy changes nothing except your own understanding.
"""

import jax, jax.numpy as jnp
import numpy as np

N_NODES = 10000
N_EDGES = 320000
D_IN = 128
D_OUT = 128


def setup_inputs(seed: int = 0) -> dict:
    key = jax.random.key(seed)
    k1, k2, k3, k4 = jax.random.split(key, 4)
    features = jax.random.normal(k1, (N_NODES, D_IN), dtype=jnp.float32)
    edge_index = jax.random.randint(k2, (2, N_EDGES), 0, N_NODES, dtype=jnp.int32)
    adj_values = jax.random.uniform(k3, (N_EDGES,), dtype=jnp.float32)
    limit = np.sqrt(6.0 / (D_IN + D_OUT))
    W = jax.random.uniform(k4, (D_IN, D_OUT), minval=-limit, maxval=limit, dtype=jnp.float32)
    return {"features": features, "edge_index": edge_index, "adj_values": adj_values, "W": W}


def reference(features, edge_index, adj_values, W):
    # adj is a sparse [N, N] matrix in COO form: (dst=edge_index[1], src=edge_index[0], adj_values)
    # x = sparse_dense_matmul(adj, features): gather rows by src, scale by edge weight, scatter-add to dst
    src = edge_index[0]
    dst = edge_index[1]
    gathered = features[src] * adj_values[:, None]
    agg = jax.ops.segment_sum(gathered, dst, num_segments=N_NODES)
    # x = matmul(x, W); activation = relu
    out = jnp.dot(agg, W)
    return jax.nn.relu(out)

if __name__ == "__main__":
    import jax
    _d = setup_inputs()
    print(jax.jit(kernel)(*tuple(_d.values())))

</pallas_src>

<mosaic_0001>
#map = affine_map<(d0, d1) -> (0, 0)>
#map1 = affine_map<(d0, d1) -> (0)>
#map2 = affine_map<(d0, d1) -> (0, 0, 0)>
module attributes {stable_mosaic.version = 14 : i64} {
  func.func @_sc_body(%arg0: i32, %arg1: i32, %arg2: memref<20000x64xf32, #tpu.memory_space<hbm>>, %arg3: memref<323584xi32, #tpu.memory_space<hbm>>, %arg4: memref<323584xi32, #tpu.memory_space<hbm>>, %arg5: memref<323584xf32, #tpu.memory_space<hbm>>, %arg6: memref<2x10240x128xf32, #tpu.memory_space<hbm>>, %arg7: memref<2x2x128xi32, #tpu.memory_space<vmem>>, %arg8: memref<2x128xf32, #tpu.memory_space<vmem>>, %arg9: memref<2x128x64xf32, #tpu.memory_space<vmem>>, %arg10: memref<128x128xf32, #tpu.memory_space<vmem>>, %arg11: memref<10112x128xf32, #tpu.memory_space<vmem_shared>>, %arg12: memref<2x!tpu.dma_semaphore, #tpu.memory_space<semaphore_mem>>, %arg13: memref<2x!tpu.dma_semaphore, #tpu.memory_space<semaphore_mem>>) attributes {dimension_semantics = [#tpu.dimension_semantics<core_parallel>, #tpu.dimension_semantics<subcore_parallel>], iteration_bounds = array<i64: 2, 16>, scalar_prefetch = 0 : i64, scratch_operands = 7 : i64, tpu.core_type = #tpu.core_type<sc_vector_subcore>, window_params = [{transform_indices = #map}, {transform_indices = #map1}, {transform_indices = #map1}, {transform_indices = #map1}, {transform_indices = #map2}]} {
    %mul3A = arith.constant 16 : i32
    %mul3A_0 = arith.muli %arg0, %mul3A : i32
    %add3A = arith.addi %mul3A_0, %arg1 : i32
    %mul3A_1 = arith.constant 10112 : i32
    %mul3A_2 = arith.muli %add3A, %mul3A_1 : i32
    %scan3A = arith.constant 0 : i32
    %scan3A_3 = arith.constant 0 : i32
    %scan3A_4 = arith.constant 128 : i32
    %scan3A_5 = arith.addi %scan3A_3, %scan3A_4 : i32
    %scan3A_6 = arith.constant 1 : i32
    scf.for %scan3A_290 = %scan3A_3 to %scan3A_5 step %scan3A_6  : i32 {
      %broadcast_in_dim3A = arith.constant 0.000000e+00 : f32
      %broadcast_in_dim3A_291 = vector.broadcast %broadcast_in_dim3A : f32 to vector<16xf32>
      %swap3A = arith.index_cast %scan3A_290 : i32 to index
      %swap3A_292 = arith.constant 0 : index
      %swap3A_293 = tpu.vector_load %arg10[%swap3A, %swap3A_292] {strides = array<i32>} : memref<128x128xf32, #tpu.memory_space<vmem>>, vector<16xf32>,
      tpu.vector_store %arg10[%swap3A, %swap3A_292], %broadcast_in_dim3A_291 {strides = array<i32>} : memref<128x128xf32, #tpu.memory_space<vmem>>, vector<16xf32>,
      %broadcast_in_dim3A_294 = arith.constant 0.000000e+00 : f32
      %broadcast_in_dim3A_295 = vector.broadcast %broadcast_in_dim3A_294 : f32 to vector<16xf32>
      %swap3A_296 = arith.index_cast %scan3A_290 : i32 to index
      %swap3A_297 = arith.constant 16 : index
      %swap3A_298 = tpu.vector_load %arg10[%swap3A_296, %swap3A_297] {strides = array<i32>} : memref<128x128xf32, #tpu.memory_space<vmem>>, vector<16xf32>,
      tpu.vector_store %arg10[%swap3A_296, %swap3A_297], %broadcast_in_dim3A_295 {strides = array<i32>} : memref<128x128xf32, #tpu.memory_space<vmem>>, vector<16xf32>,
      %broadcast_in_dim3A_299 = arith.constant 0.000000e+00 : f32
      %broadcast_in_dim3A_300 = vector.broadcast %broadcast_in_dim3A_299 : f32 to vector<16xf32>
      %swap3A_301 = arith.index_cast %scan3A_290 : i32 to index
      %swap3A_302 = arith.constant 32 : index
      %swap3A_303 = tpu.vector_load %arg10[%swap3A_301, %swap3A_302] {strides = array<i32>} : memref<128x128xf32, #tpu.memory_space<vmem>>, vector<16xf32>,
      tpu.vector_store %arg10[%swap3A_301, %swap3A_302], %broadcast_in_dim3A_300 {strides = array<i32>} : memref<128x128xf32, #tpu.memory_space<vmem>>, vector<16xf32>,
      %broadcast_in_dim3A_304 = arith.constant 0.000000e+00 : f32
      %broadcast_in_dim3A_305 = vector.broadcast %broadcast_in_dim3A_304 : f32 to vector<16xf32>
      %swap3A_306 = arith.index_cast %scan3A_290 : i32 to index
      %swap3A_307 = arith.constant 48 : index
      %swap3A_308 = tpu.vector_load %arg10[%swap3A_306, %swap3A_307] {strides = array<i32>} : memref<128x128xf32, #tpu.memory_space<vmem>>, vector<16xf32>,
      tpu.vector_store %arg10[%swap3A_306, %swap3A_307], %broadcast_in_dim3A_305 {strides = array<i32>} : memref<128x128xf32, #tpu.memory_space<vmem>>, vector<16xf32>,
      %broadcast_in_dim3A_309 = arith.constant 0.000000e+00 : f32
      %broadcast_in_dim3A_310 = vector.broadcast %broadcast_in_dim3A_309 : f32 to vector<16xf32>
      %swap3A_311 = arith.index_cast %scan3A_290 : i32 to index
      %swap3A_312 = arith.constant 64 : index
      %swap3A_313 = tpu.vector_load %arg10[%swap3A_311, %swap3A_312] {strides = array<i32>} : memref<128x128xf32, #tpu.memory_space<vmem>>, vector<16xf32>,
      tpu.vector_store %arg10[%swap3A_311, %swap3A_312], %broadcast_in_dim3A_310 {strides = array<i32>} : memref<128x128xf32, #tpu.memory_space<vmem>>, vector<16xf32>,
      %broadcast_in_dim3A_314 = arith.constant 0.000000e+00 : f32
      %broadcast_in_dim3A_315 = vector.broadcast %broadcast_in_dim3A_314 : f32 to vector<16xf32>
      %swap3A_316 = arith.index_cast %scan3A_290 : i32 to index
      %swap3A_317 = arith.constant 80 : index
      %swap3A_318 = tpu.vector_load %arg10[%swap3A_316, %swap3A_317] {strides = array<i32>} : memref<128x128xf32, #tpu.memory_space<vmem>>, vector<16xf32>,
      tpu.vector_store %arg10[%swap3A_316, %swap3A_317], %broadcast_in_dim3A_315 {strides = array<i32>} : memref<128x128xf32, #tpu.memory_space<vmem>>, vector<16xf32>,
      %broadcast_in_dim3A_319 = arith.constant 0.000000e+00 : f32
      %broadcast_in_dim3A_320 = vector.broadcast %broadcast_in_dim3A_319 : f32 to vector<16xf32>
      %swap3A_321 = arith.index_cast %scan3A_290 : i32 to index
      %swap3A_322 = arith.constant 96 : index
      %swap3A_323 = tpu.vector_load %arg10[%swap3A_321, %swap3A_322] {strides = array<i32>} : memref<128x128xf32, #tpu.memory_space<vmem>>, vector<16xf32>,
      tpu.vector_store %arg10[%swap3A_321, %swap3A_322], %broadcast_in_dim3A_320 {strides = array<i32>} : memref<128x128xf32, #tpu.memory_space<vmem>>, vector<16xf32>,
      %broadcast_in_dim3A_324 = arith.constant 0.000000e+00 : f32
      %broadcast_in_dim3A_325 = vector.broadcast %broadcast_in_dim3A_324 : f32 to vector<16xf32>
      %swap3A_326 = arith.index_cast %scan3A_290 : i32 to index
      %swap3A_327 = arith.constant 112 : index
      %swap3A_328 = tpu.vector_load %arg10[%swap3A_326, %swap3A_327] {strides = array<i32>} : memref<128x128xf32, #tpu.memory_space<vmem>>, vector<16xf32>,
      tpu.vector_store %arg10[%swap3A_326, %swap3A_327], %broadcast_in_dim3A_325 {strides = array<i32>} : memref<128x128xf32, #tpu.memory_space<vmem>>, vector<16xf32>,
    }
    %scan3A_7 = arith.constant 128 : i32
    %mul3A_8 = arith.constant 640 : i32
    %mul3A_9 = arith.muli %arg1, %mul3A_8 : i32
    %add3A_10 = arith.constant 0 : i32
    %add3A_11 = arith.addi %mul3A_9, %add3A_10 : i32
    %add3A_12 = arith.constant 128 : i32
    %add3A_13 = arith.addi %add3A_11, %add3A_12 : i32
    %le3A = arith.constant 10112 : i32
    %le3A_14 = arith.cmpi sle, %add3A_13, %le3A : i32
    %convert_element_type3A = arith.extui %le3A_14 : i1 to i32
    %cond3A = arith.constant 0 : i32
    %cond3A_15 = arith.cmpi ne, %convert_element_type3A, %cond3A : i32
    scf.if %cond3A_15 {
      %dma_start3A_290 = arith.constant 0 : i32
      %dma_start3A_291 = arith.constant 0 : i32
      %dma_start3A_292 = tpu.memref_slice %arg11[%add3A_11, %dma_start3A_291] : memref<10112x128xf32, #tpu.memory_space<vmem_shared>> -> memref<128x128xf32, #tpu.memory_space<vmem_shared>>
      %dma_start3A_293 = tpu.memref_slice %arg13[%dma_start3A_290] : memref<2x!tpu.dma_semaphore, #tpu.memory_space<semaphore_mem>> -> memref<1x!tpu.dma_semaphore, #tpu.memory_space<semaphore_mem>>
      %dma_start3A_294 = tpu.memref_squeeze %dma_start3A_293 : memref<1x!tpu.dma_semaphore, #tpu.memory_space<semaphore_mem>> -> memref<!tpu.dma_semaphore, #tpu.memory_space<semaphore_mem>>
      %dma_start3A_295 = arith.constant 0 : i32
      %dma_start3A_296 = tpu.memref_slice %arg11[%add3A_11, %dma_start3A_295] : memref<10112x128xf32, #tpu.memory_space<vmem_shared>> -> memref<128x128xf32, #tpu.memory_space<vmem_shared>>
      tpu.enqueue_dma source(%arg10 : memref<128x128xf32, #tpu.memory_space<vmem>>) target(%dma_start3A_296 : memref<128x128xf32, #tpu.memory_space<vmem_shared>>) target_semaphore(%dma_start3A_294 : memref<!tpu.dma_semaphore, #tpu.memory_space<semaphore_mem>>)
      %dma_wait3A_297 = arith.constant 0 : i32
      %dma_wait3A_298 = arith.constant 0 : i32
      %dma_wait3A_299 = tpu.memref_slice %arg11[%add3A_11, %dma_wait3A_298] : memref<10112x128xf32, #tpu.memory_space<vmem_shared>> -> memref<128x128xf32, #tpu.memory_space<vmem_shared>>
      %dma_wait3A_300 = tpu.memref_slice %arg13[%dma_wait3A_297] : memref<2x!tpu.dma_semaphore, #tpu.memory_space<semaphore_mem>> -> memref<1x!tpu.dma_semaphore, #tpu.memory_space<semaphore_mem>>
      %dma_wait3A_301 = tpu.memref_squeeze %dma_wait3A_300 : memref<1x!tpu.dma_semaphore, #tpu.memory_space<semaphore_mem>> -> memref<!tpu.dma_semaphore, #tpu.memory_space<semaphore_mem>>
      %dma_wait3A_302 = arith.constant 0 : i32
      %dma_wait3A_303 = tpu.memref_slice %arg11[%add3A_11, %dma_wait3A_302] : memref<10112x128xf32, #tpu.memory_space<vmem_shared>> -> memref<128x128xf32, #tpu.memory_space<vmem_shared>>
      tpu.wait_dma2 semaphore(%dma_wait3A_301 : memref<!tpu.dma_semaphore, #tpu.memory_space<semaphore_mem>>) src(%arg10 : memref<128x128xf32, #tpu.memory_space<vmem>>) dst(%dma_wait3A_303 : memref<128x128xf32, #tpu.memory_space<vmem_shared>>)
    } else {
    }
    %add3A_16 = arith.constant 128 : i32
    %add3A_17 = arith.addi %mul3A_9, %add3A_16 : i32
    %add3A_18 = arith.constant 128 : i32
    %add3A_19 = arith.addi %add3A_17, %add3A_18 : i32
    %le3A_20 = arith.constant 10112 : i32
    %le3A_21 = arith.cmpi sle, %add3A_19, %le3A_20 : i32
    %convert_element_type3A_22 = arith.extui %le3A_21 : i1 to i32
    %cond3A_23 = arith.constant 0 : i32
    %cond3A_24 = arith.cmpi ne, %convert_element_type3A_22, %cond3A_23 : i32
    scf.if %cond3A_24 {
      %dma_start3A_290 = arith.constant 0 : i32
      %dma_start3A_291 = arith.constant 0 : i32
      %dma_start3A_292 = tpu.memref_slice %arg11[%add3A_17, %dma_start3A_291] : memref<10112x128xf32, #tpu.memory_space<vmem_shared>> -> memref<128x128xf32, #tpu.memory_space<vmem_shared>>
      %dma_start3A_293 = tpu.memref_slice %arg13[%dma_start3A_290] : memref<2x!tpu.dma_semaphore, #tpu.memory_space<semaphore_mem>> -> memref<1x!tpu.dma_semaphore, #tpu.memory_space<semaphore_mem>>
      %dma_start3A_294 = tpu.memref_squeeze %dma_start3A_293 : memref<1x!tpu.dma_semaphore, #tpu.memory_space<semaphore_mem>> -> memref<!tpu.dma_semaphore, #tpu.memory_space<semaphore_mem>>
      %dma_start3A_295 = arith.constant 0 : i32
      %dma_start3A_296 = tpu.memref_slice %arg11[%add3A_17, %dma_start3A_295] : memref<10112x128xf32, #tpu.memory_space<vmem_shared>> -> memref<128x128xf32, #tpu.memory_space<vmem_shared>>
      tpu.enqueue_dma source(%arg10 : memref<128x128xf32, #tpu.memory_space<vmem>>) target(%dma_start3A_296 : memref<128x128xf32, #tpu.memory_space<vmem_shared>>) target_semaphore(%dma_start3A_294 : memref<!tpu.dma_semaphore, #tpu.memory_space<semaphore_mem>>)
      %dma_wait3A_297 = arith.constant 0 : i32
      %dma_wait3A_298 = arith.constant 0 : i32
      %dma_wait3A_299 = tpu.memref_slice %arg11[%add3A_17, %dma_wait3A_298] : memref<10112x128xf32, #tpu.memory_space<vmem_shared>> -> memref<128x128xf32, #tpu.memory_space<vmem_shared>>
      %dma_wait3A_300 = tpu.memref_slice %arg13[%dma_wait3A_297] : memref<2x!tpu.dma_semaphore, #tpu.memory_space<semaphore_mem>> -> memref<1x!tpu.dma_semaphore, #tpu.memory_space<semaphore_mem>>
      %dma_wait3A_301 = tpu.memref_squeeze %dma_wait3A_300 : memref<1x!tpu.dma_semaphore, #tpu.memory_space<semaphore_mem>> -> memref<!tpu.dma_semaphore, #tpu.memory_space<semaphore_mem>>
      %dma_wait3A_302 = arith.constant 0 : i32
      %dma_wait3A_303 = tpu.memref_slice %arg11[%add3A_17, %dma_wait3A_302] : memref<10112x128xf32, #tpu.memory_space<vmem_shared>> -> memref<128x128xf32, #tpu.memory_space<vmem_shared>>
      tpu.wait_dma2 semaphore(%dma_wait3A_301 : memref<!tpu.dma_semaphore, #tpu.memory_space<semaphore_mem>>) src(%arg10 : memref<128x128xf32, #tpu.memory_space<vmem>>) dst(%dma_wait3A_303 : memref<128x128xf32, #tpu.memory_space<vmem_shared>>)
    } else {
    }
    %add3A_25 = arith.constant 256 : i32
    %add3A_26 = arith.addi %mul3A_9, %add3A_25 : i32
    %add3A_27 = arith.constant 128 : i32
    %add3A_28 = arith.addi %add3A_26, %add3A_27 : i32
    %le3A_29 = arith.constant 10112 : i32
    %le3A_30 = arith.cmpi sle, %add3A_28, %le3A_29 : i32
    %convert_element_type3A_31 = arith.extui %le3A_30 : i1 to i32
    %cond3A_32 = arith.constant 0 : i32
    %cond3A_33 = arith.cmpi ne, %convert_element_type3A_31, %cond3A_32 : i32
    scf.if %cond3A_33 {
      %dma_start3A_290 = arith.constant 0 : i32
      %dma_start3A_291 = arith.constant 0 : i32
      %dma_start3A_292 = tpu.memref_slice %arg11[%add3A_26, %dma_start3A_291] : memref<10112x128xf32, #tpu.memory_space<vmem_shared>> -> memref<128x128xf32, #tpu.memory_space<vmem_shared>>
      %dma_start3A_293 = tpu.memref_slice %arg13[%dma_start3A_290] : memref<2x!tpu.dma_semaphore, #tpu.memory_space<semaphore_mem>> -> memref<1x!tpu.dma_semaphore, #tpu.memory_space<semaphore_mem>>
      %dma_start3A_294 = tpu.memref_squeeze %dma_start3A_293 : memref<1x!tpu.dma_semaphore, #tpu.memory_space<semaphore_mem>> -> memref<!tpu.dma_semaphore, #tpu.memory_space<semaphore_mem>>
      %dma_start3A_295 = arith.constant 0 : i32
      %dma_start3A_296 = tpu.memref_slice %arg11[%add3A_26, %dma_start3A_295] : memref<10112x128xf32, #tpu.memory_space<vmem_shared>> -> memref<128x128xf32, #tpu.memory_space<vmem_shared>>
      tpu.enqueue_dma source(%arg10 : memref<128x128xf32, #tpu.memory_space<vmem>>) target(%dma_start3A_296 : memref<128x128xf32, #tpu.memory_space<vmem_shared>>) target_semaphore(%dma_start3A_294 : memref<!tpu.dma_semaphore, #tpu.memory_space<semaphore_mem>>)
      %dma_wait3A_297 = arith.constant 0 : i32
      %dma_wait3A_298 = arith.constant 0 : i32
      %dma_wait3A_299 = tpu.memref_slice %arg11[%add3A_26, %dma_wait3A_298] : memref<10112x128xf32, #tpu.memory_space<vmem_shared>> -> memref<128x128xf32, #tpu.memory_space<vmem_shared>>
      %dma_wait3A_300 = tpu.memref_slice %arg13[%dma_wait3A_297] : memref<2x!tpu.dma_semaphore, #tpu.memory_space<semaphore_mem>> -> memref<1x!tpu.dma_semaphore, #tpu.memory_space<semaphore_mem>>
      %dma_wait3A_301 = tpu.memref_squeeze %dma_wait3A_300 : memref<1x!tpu.dma_semaphore, #tpu.memory_space<semaphore_mem>> -> memref<!tpu.dma_semaphore, #tpu.memory_space<semaphore_mem>>
      %dma_wait3A_302 = arith.constant 0 : i32
      %dma_wait3A_303 = tpu.memref_slice %arg11[%add3A_26, %dma_wait3A_302] : memref<10112x128xf32, #tpu.memory_space<vmem_shared>> -> memref<128x128xf32, #tpu.memory_space<vmem_shared>>
      tpu.wait_dma2 semaphore(%dma_wait3A_301 : memref<!tpu.dma_semaphore, #tpu.memory_space<semaphore_mem>>) src(%arg10 : memref<128x128xf32, #tpu.memory_space<vmem>>) dst(%dma_wait3A_303 : memref<128x128xf32, #tpu.memory_space<vmem_shared>>)
    } else {
    }
    %add3A_34 = arith.constant 384 : i32
    %add3A_35 = arith.addi %mul3A_9, %add3A_34 : i32
    %add3A_36 = arith.constant 128 : i32
    %add3A_37 = arith.addi %add3A_35, %add3A_36 : i32
    %le3A_38 = arith.constant 10112 : i32
    %le3A_39 = arith.cmpi sle, %add3A_37, %le3A_38 : i32
    %convert_element_type3A_40 = arith.extui %le3A_39 : i1 to i32
    %cond3A_41 = arith.constant 0 : i32
    %cond3A_42 = arith.cmpi ne, %convert_element_type3A_40, %cond3A_41 : i32
    scf.if %cond3A_42 {
      %dma_start3A_290 = arith.constant 0 : i32
      %dma_start3A_291 = arith.constant 0 : i32
      %dma_start3A_292 = tpu.memref_slice %arg11[%add3A_35, %dma_start3A_291] : memref<10112x128xf32, #tpu.memory_space<vmem_shared>> -> memref<128x128xf32, #tpu.memory_space<vmem_shared>>
      %dma_start3A_293 = tpu.memref_slice %arg13[%dma_start3A_290] : memref<2x!tpu.dma_semaphore, #tpu.memory_space<semaphore_mem>> -> memref<1x!tpu.dma_semaphore, #tpu.memory_space<semaphore_mem>>
      %dma_start3A_294 = tpu.memref_squeeze %dma_start3A_293 : memref<1x!tpu.dma_semaphore, #tpu.memory_space<semaphore_mem>> -> memref<!tpu.dma_semaphore, #tpu.memory_space<semaphore_mem>>
      %dma_start3A_295 = arith.constant 0 : i32
      %dma_start3A_296 = tpu.memref_slice %arg11[%add3A_35, %dma_start3A_295] : memref<10112x128xf32, #tpu.memory_space<vmem_shared>> -> memref<128x128xf32, #tpu.memory_space<vmem_shared>>
      tpu.enqueue_dma source(%arg10 : memref<128x128xf32, #tpu.memory_space<vmem>>) target(%dma_start3A_296 : memref<128x128xf32, #tpu.memory_space<vmem_shared>>) target_semaphore(%dma_start3A_294 : memref<!tpu.dma_semaphore, #tpu.memory_space<semaphore_mem>>)
      %dma_wait3A_297 = arith.constant 0 : i32
      %dma_wait3A_298 = arith.constant 0 : i32
      %dma_wait3A_299 = tpu.memref_slice %arg11[%add3A_35, %dma_wait3A_298] : memref<10112x128xf32, #tpu.memory_space<vmem_shared>> -> memref<128x128xf32, #tpu.memory_space<vmem_shared>>
      %dma_wait3A_300 = tpu.memref_slice %arg13[%dma_wait3A_297] : memref<2x!tpu.dma_semaphore, #tpu.memory_space<semaphore_mem>> -> memref<1x!tpu.dma_semaphore, #tpu.memory_space<semaphore_mem>>
      %dma_wait3A_301 = tpu.memref_squeeze %dma_wait3A_300 : memref<1x!tpu.dma_semaphore, #tpu.memory_space<semaphore_mem>> -> memref<!tpu.dma_semaphore, #tpu.memory_space<semaphore_mem>>
      %dma_wait3A_302 = arith.constant 0 : i32
      %dma_wait3A_303 = tpu.memref_slice %arg11[%add3A_35, %dma_wait3A_302] : memref<10112x128xf32, #tpu.memory_space<vmem_shared>> -> memref<128x128xf32, #tpu.memory_space<vmem_shared>>
      tpu.wait_dma2 semaphore(%dma_wait3A_301 : memref<!tpu.dma_semaphore, #tpu.memory_space<semaphore_mem>>) src(%arg10 : memref<128x128xf32, #tpu.memory_space<vmem>>) dst(%dma_wait3A_303 : memref<128x128xf32, #tpu.memory_space<vmem_shared>>)
    } else {
    }
    %add3A_43 = arith.constant 512 : i32
    %add3A_44 = arith.addi %mul3A_9, %add3A_43 : i32
    %add3A_45 = arith.constant 128 : i32
    %add3A_46 = arith.addi %add3A_44, %add3A_45 : i32
    %le3A_47 = arith.constant 10112 : i32
    %le3A_48 = arith.cmpi sle, %add3A_46, %le3A_47 : i32
    %convert_element_type3A_49 = arith.extui %le3A_48 : i1 to i32
    %cond3A_50 = arith.constant 0 : i32
    %cond3A_51 = arith.cmpi ne, %convert_element_type3A_49, %cond3A_50 : i32
    scf.if %cond3A_51 {
      %dma_start3A_290 = arith.constant 0 : i32
      %dma_start3A_291 = arith.constant 0 : i32
      %dma_start3A_292 = tpu.memref_slice %arg11[%add3A_44, %dma_start3A_291] : memref<10112x128xf32, #tpu.memory_space<vmem_shared>> -> memref<128x128xf32, #tpu.memory_space<vmem_shared>>
      %dma_start3A_293 = tpu.memref_slice %arg13[%dma_start3A_290] : memref<2x!tpu.dma_semaphore, #tpu.memory_space<semaphore_mem>> -> memref<1x!tpu.dma_semaphore, #tpu.memory_space<semaphore_mem>>
      %dma_start3A_294 = tpu.memref_squeeze %dma_start3A_293 : memref<1x!tpu.dma_semaphore, #tpu.memory_space<semaphore_mem>> -> memref<!tpu.dma_semaphore, #tpu.memory_space<semaphore_mem>>
      %dma_start3A_295 = arith.constant 0 : i32
      %dma_start3A_296 = tpu.memref_slice %arg11[%add3A_44, %dma_start3A_295] : memref<10112x128xf32, #tpu.memory_space<vmem_shared>> -> memref<128x128xf32, #tpu.memory_space<vmem_shared>>
      tpu.enqueue_dma source(%arg10 : memref<128x128xf32, #tpu.memory_space<vmem>>) target(%dma_start3A_296 : memref<128x128xf32, #tpu.memory_space<vmem_shared>>) target_semaphore(%dma_start3A_294 : memref<!tpu.dma_semaphore, #tpu.memory_space<semaphore_mem>>)
      %dma_wait3A_297 = arith.constant 0 : i32
      %dma_wait3A_298 = arith.constant 0 : i32
      %dma_wait3A_299 = tpu.memref_slice %arg11[%add3A_44, %dma_wait3A_298] : memref<10112x128xf32, #tpu.memory_space<vmem_shared>> -> memref<128x128xf32, #tpu.memory_space<vmem_shared>>
      %dma_wait3A_300 = tpu.memref_slice %arg13[%dma_wait3A_297] : memref<2x!tpu.dma_semaphore, #tpu.memory_space<semaphore_mem>> -> memref<1x!tpu.dma_semaphore, #tpu.memory_space<semaphore_mem>>
      %dma_wait3A_301 = tpu.memref_squeeze %dma_wait3A_300 : memref<1x!tpu.dma_semaphore, #tpu.memory_space<semaphore_mem>> -> memref<!tpu.dma_semaphore, #tpu.memory_space<semaphore_mem>>
      %dma_wait3A_302 = arith.constant 0 : i32
      %dma_wait3A_303 = tpu.memref_slice %arg11[%add3A_44, %dma_wait3A_302] : memref<10112x128xf32, #tpu.memory_space<vmem_shared>> -> memref<128x128xf32, #tpu.memory_space<vmem_shared>>
      tpu.wait_dma2 semaphore(%dma_wait3A_301 : memref<!tpu.dma_semaphore, #tpu.memory_space<semaphore_mem>>) src(%arg10 : memref<128x128xf32, #tpu.memory_space<vmem>>) dst(%dma_wait3A_303 : memref<128x128xf32, #tpu.memory_space<vmem_shared>>)
    } else {
    }
    %barrier3A = arith.constant 0 : index
    tpu.barrier barrier_id(%barrier3A)
    %add3A_52 = arith.constant 0 : i32
    %add3A_53 = arith.addi %mul3A_2, %add3A_52 : i32
    %dma_start3A = arith.constant 0 : i32
    %dma_start3A_54 = arith.constant 0 : i32
    %dma_start3A_55 = arith.constant 0 : i32
    %dma_start3A_56 = arith.constant 0 : i32
    %dma_start3A_57 = tpu.memref_slice %arg7[%dma_start3A, %dma_start3A_54, %dma_start3A_56] : memref<2x2x128xi32, #tpu.memory_space<vmem>> -> memref<1x1x128xi32, #tpu.memory_space<vmem>>
    %dma_start3A_58 = tpu.memref_squeeze %dma_start3A_57 : memref<1x1x128xi32, #tpu.memory_space<vmem>> -> memref<128xi32, #tpu.memory_space<vmem>>
    %dma_start3A_59 = tpu.memref_slice %arg3[%add3A_53] : memref<323584xi32, #tpu.memory_space<hbm>> -> memref<128xi32, #tpu.memory_space<hbm>>
    %dma_start3A_60 = tpu.memref_slice %arg12[%dma_start3A_55] : memref<2x!tpu.dma_semaphore, #tpu.memory_space<semaphore_mem>> -> memref<1x!tpu.dma_semaphore, #tpu.memory_space<semaphore_mem>>
    %dma_start3A_61 = tpu.memref_squeeze %dma_start3A_60 : memref<1x!tpu.dma_semaphore, #tpu.memory_space<semaphore_mem>> -> memref<!tpu.dma_semaphore, #tpu.memory_space<semaphore_mem>>
    %dma_start3A_62 = arith.constant 0 : i32
    %dma_start3A_63 = tpu.memref_slice %arg7[%dma_start3A, %dma_start3A_54, %dma_start3A_62] : memref<2x2x128xi32, #tpu.memory_space<vmem>> -> memref<1x1x128xi32, #tpu.memory_space<vmem>>
    %dma_start3A_64 = tpu.memref_squeeze %dma_start3A_63 : memref<1x1x128xi32, #tpu.memory_space<vmem>> -> memref<128xi32, #tpu.memory_space<vmem>>
    %dma_start3A_65 = tpu.memref_slice %arg3[%add3A_53] : memref<323584xi32, #tpu.memory_space<hbm>> -> memref<128xi32, #tpu.memory_space<hbm>>
    tpu.enqueue_dma source(%dma_start3A_65 : memref<128xi32, #tpu.memory_space<hbm>>) target(%dma_start3A_64 : memref<128xi32, #tpu.memory_space<vmem>>) target_semaphore(%dma_start3A_61 : memref<!tpu.dma_semaphore, #tpu.memory_space<semaphore_mem>>)
    %dma_start3A_66 = arith.constant 0 : i32
    %dma_start3A_67 = arith.constant 1 : i32
    %dma_start3A_68 = arith.constant 0 : i32
    %dma_start3A_69 = arith.constant 0 : i32
    %dma_start3A_70 = tpu.memref_slice %arg7[%dma_start3A_66, %dma_start3A_67, %dma_start3A_69] : memref<2x2x128xi32, #tpu.memory_space<vmem>> -> memref<1x1x128xi32, #tpu.memory_space<vmem>>
    %dma_start3A_71 = tpu.memref_squeeze %dma_start3A_70 : memref<1x1x128xi32, #tpu.memory_space<vmem>> -> memref<128xi32, #tpu.memory_space<vmem>>
    %dma_start3A_72 = tpu.memref_slice %arg4[%add3A_53] : memref<323584xi32, #tpu.memory_space<hbm>> -> memref<128xi32, #tpu.memory_space<hbm>>
    %dma_start3A_73 = tpu.memref_slice %arg12[%dma_start3A_68] : memref<2x!tpu.dma_semaphore, #tpu.memory_space<semaphore_mem>> -> memref<1x!tpu.dma_semaphore, #tpu.memory_space<semaphore_mem>>
    %dma_start3A_74 = tpu.memref_squeeze %dma_start3A_73 : memref<1x!tpu.dma_semaphore, #tpu.memory_space<semaphore_mem>> -> memref<!tpu.dma_semaphore, #tpu.memory_space<semaphore_mem>>
    %dma_start3A_75 = arith.constant 0 : i32
    %dma_start3A_76 = tpu.memref_slice %arg7[%dma_start3A_66, %dma_start3A_67, %dma_start3A_75] : memref<2x2x128xi32, #tpu.memory_space<vmem>> -> memref<1x1x128xi32, #tpu.memory_space<vmem>>
    %dma_start3A_77 = tpu.memref_squeeze %dma_start3A_76 : memref<1x1x128xi32, #tpu.memory_space<vmem>> -> memref<128xi32, #tpu.memory_space<vmem>>
    %dma_start3A_78 = tpu.memref_slice %arg4[%add3A_53] : memref<323584xi32, #tpu.memory_space<hbm>> -> memref<128xi32, #tpu.memory_space<hbm>>
    tpu.enqueue_dma source(%dma_start3A_78 : memref<128xi32, #tpu.memory_space<hbm>>) target(%dma_start3A_77 : memref<128xi32, #tpu.memory_space<vmem>>) target_semaphore(%dma_start3A_74 : memref<!tpu.dma_semaphore, #tpu.memory_space<semaphore_mem>>)
    %dma_start3A_79 = arith.constant 0 : i32
    %dma_start3A_80 = arith.constant 0 : i32
    %dma_start3A_81 = arith.constant 0 : i32
    %dma_start3A_82 = tpu.memref_slice %arg8[%dma_start3A_79, %dma_start3A_81] : memref<2x128xf32, #tpu.memory_space<vmem>> -> memref<1x128xf32, #tpu.memory_space<vmem>>
    %dma_start3A_83 = tpu.memref_squeeze %dma_start3A_82 : memref<1x128xf32, #tpu.memory_space<vmem>> -> memref<128xf32, #tpu.memory_space<vmem>>
    %dma_start3A_84 = tpu.memref_slice %arg5[%add3A_53] : memref<323584xf32, #tpu.memory_space<hbm>> -> memref<128xf32, #tpu.memory_space<hbm>>
    %dma_start3A_85 = tpu.memref_slice %arg12[%dma_start3A_80] : memref<2x!tpu.dma_semaphore, #tpu.memory_space<semaphore_mem>> -> memref<1x!tpu.dma_semaphore, #tpu.memory_space<semaphore_mem>>
    %dma_start3A_86 = tpu.memref_squeeze %dma_start3A_85 : memref<1x!tpu.dma_semaphore, #tpu.memory_space<semaphore_mem>> -> memref<!tpu.dma_semaphore, #tpu.memory_space<semaphore_mem>>
    %dma_start3A_87 = arith.constant 0 : i32
    %dma_start3A_88 = tpu.memref_slice %arg8[%dma_start3A_79, %dma_start3A_87] : memref<2x128xf32, #tpu.memory_space<vmem>> -> memref<1x128xf32, #tpu.memory_space<vmem>>
    %dma_start3A_89 = tpu.memref_squeeze %dma_start3A_88 : memref<1x128xf32, #tpu.memory_space<vmem>> -> memref<128xf32, #tpu.memory_space<vmem>>
    %dma_start3A_90 = tpu.memref_slice %arg5[%add3A_53] : memref<323584xf32, #tpu.memory_space<hbm>> -> memref<128xf32, #tpu.memory_space<hbm>>
    tpu.enqueue_dma source(%dma_start3A_90 : memref<128xf32, #tpu.memory_space<hbm>>) target(%dma_start3A_89 : memref<128xf32, #tpu.memory_space<vmem>>) target_semaphore(%dma_start3A_86 : memref<!tpu.dma_semaphore, #tpu.memory_space<semaphore_mem>>)
    %add3A_91 = arith.constant 128 : i32
    %add3A_92 = arith.addi %mul3A_2, %add3A_91 : i32
    %dma_start3A_93 = arith.constant 1 : i32
    %dma_start3A_94 = arith.constant 0 : i32
    %dma_start3A_95 = arith.constant 1 : i32
    %dma_start3A_96 = arith.constant 0 : i32
    %dma_start3A_97 = tpu.memref_slice %arg7[%dma_start3A_93, %dma_start3A_94, %dma_start3A_96] : memref<2x2x128xi32, #tpu.memory_space<vmem>> -> memref<1x1x128xi32, #tpu.memory_space<vmem>>
    %dma_start3A_98 = tpu.memref_squeeze %dma_start3A_97 : memref<1x1x128xi32, #tpu.memory_space<vmem>> -> memref<128xi32, #tpu.memory_space<vmem>>
    %dma_start3A_99 = tpu.memref_slice %arg3[%add3A_92] : memref<323584xi32, #tpu.memory_space<hbm>> -> memref<128xi32, #tpu.memory_space<hbm>>
    %dma_start3A_100 = tpu.memref_slice %arg12[%dma_start3A_95] : memref<2x!tpu.dma_semaphore, #tpu.memory_space<semaphore_mem>> -> memref<1x!tpu.dma_semaphore, #tpu.memory_space<semaphore_mem>>
    %dma_start3A_101 = tpu.memref_squeeze %dma_start3A_100 : memref<1x!tpu.dma_semaphore, #tpu.memory_space<semaphore_mem>> -> memref<!tpu.dma_semaphore, #tpu.memory_space<semaphore_mem>>
    %dma_start3A_102 = arith.constant 0 : i32
    %dma_start3A_103 = tpu.memref_slice %arg7[%dma_start3A_93, %dma_start3A_94, %dma_start3A_102] : memref<2x2x128xi32, #tpu.memory_space<vmem>> -> memref<1x1x128xi32, #tpu.memory_space<vmem>>
    %dma_start3A_104 = tpu.memref_squeeze %dma_start3A_103 : memref<1x1x128xi32, #tpu.memory_space<vmem>> -> memref<128xi32, #tpu.memory_space<vmem>>
    %dma_start3A_105 = tpu.memref_slice %arg3[%add3A_92] : memref<323584xi32, #tpu.memory_space<hbm>> -> memref<128xi32, #tpu.memory_space<hbm>>
    tpu.enqueue_dma source(%dma_start3A_105 : memref<128xi32, #tpu.memory_space<hbm>>) target(%dma_start3A_104 : memref<128xi32, #tpu.memory_space<vmem>>) target_semaphore(%dma_start3A_101 : memref<!tpu.dma_semaphore, #tpu.memory_space<semaphore_mem>>)
    %dma_start3A_106 = arith.constant 1 : i32
    %dma_start3A_107 = arith.constant 1 : i32
    %dma_start3A_108 = arith.constant 1 : i32
    %dma_start3A_109 = arith.constant 0 : i32
    %dma_start3A_110 = tpu.memref_slice %arg7[%dma_start3A_106, %dma_start3A_107, %dma_start3A_109] : memref<2x2x128xi32, #tpu.memory_space<vmem>> -> memref<1x1x128xi32, #tpu.memory_space<vmem>>
    %dma_start3A_111 = tpu.memref_squeeze %dma_start3A_110 : memref<1x1x128xi32, #tpu.memory_space<vmem>> -> memref<128xi32, #tpu.memory_space<vmem>>
    %dma_start3A_112 = tpu.memref_slice %arg4[%add3A_92] : memref<323584xi32, #tpu.memory_space<hbm>> -> memref<128xi32, #tpu.memory_space<hbm>>
    %dma_start3A_113 = tpu.memref_slice %arg12[%dma_start3A_108] : memref<2x!tpu.dma_semaphore, #tpu.memory_space<semaphore_mem>> -> memref<1x!tpu.dma_semaphore, #tpu.memory_space<semaphore_mem>>
    %dma_start3A_114 = tpu.memref_squeeze %dma_start3A_113 : memref<1x!tpu.dma_semaphore, #tpu.memory_space<semaphore_mem>> -> memref<!tpu.dma_semaphore, #tpu.memory_space<semaphore_mem>>
    %dma_start3A_115 = arith.constant 0 : i32
    %dma_start3A_116 = tpu.memref_slice %arg7[%dma_start3A_106, %dma_start3A_107, %dma_start3A_115] : memref<2x2x128xi32, #tpu.memory_space<vmem>> -> memref<1x1x128xi32, #tpu.memory_space<vmem>>
    %dma_start3A_117 = tpu.memref_squeeze %dma_start3A_116 : memref<1x1x128xi32, #tpu.memory_space<vmem>> -> memref<128xi32, #tpu.memory_space<vmem>>
    %dma_start3A_118 = tpu.memref_slice %arg4[%add3A_92] : memref<323584xi32, #tpu.memory_space<hbm>> -> memref<128xi32, #tpu.memory_space<hbm>>
    tpu.enqueue_dma source(%dma_start3A_118 : memref<128xi32, #tpu.memory_space<hbm>>) target(%dma_start3A_117 : memref<128xi32, #tpu.memory_space<vmem>>) target_semaphore(%dma_start3A_114 : memref<!tpu.dma_semaphore, #tpu.memory_space<semaphore_mem>>)
    %dma_start3A_119 = arith.constant 1 : i32
    %dma_start3A_120 = arith.constant 1 : i32
    %dma_start3A_121 = arith.constant 0 : i32
    %dma_start3A_122 = tpu.memref_slice %arg8[%dma_start3A_119, %dma_start3A_121] : memref<2x128xf32, #tpu.memory_space<vmem>> -> memref<1x128xf32, #tpu.memory_space<vmem>>
    %dma_start3A_123 = tpu.memref_squeeze %dma_start3A_122 : memref<1x128xf32, #tpu.memory_space<vmem>> -> memref<128xf32, #tpu.memory_space<vmem>>
    %dma_start3A_124 = tpu.memref_slice %arg5[%add3A_92] : memref<323584xf32, #tpu.memory_space<hbm>> -> memref<128xf32, #tpu.memory_space<hbm>>
    %dma_start3A_125 = tpu.memref_slice %arg12[%dma_start3A_120] : memref<2x!tpu.dma_semaphore, #tpu.memory_space<semaphore_mem>> -> memref<1x!tpu.dma_semaphore, #tpu.memory_space<semaphore_mem>>
    %dma_start3A_126 = tpu.memref_squeeze %dma_start3A_125 : memref<1x!tpu.dma_semaphore, #tpu.memory_space<semaphore_mem>> -> memref<!tpu.dma_semaphore, #tpu.memory_space<semaphore_mem>>
    %dma_start3A_127 = arith.constant 0 : i32
    %dma_start3A_128 = tpu.memref_slice %arg8[%dma_start3A_119, %dma_start3A_127] : memref<2x128xf32, #tpu.memory_space<vmem>> -> memref<1x128xf32, #tpu.memory_space<vmem>>
    %dma_start3A_129 = tpu.memref_squeeze %dma_start3A_128 : memref<1x128xf32, #tpu.memory_space<vmem>> -> memref<128xf32, #tpu.memory_space<vmem>>
    %dma_start3A_130 = tpu.memref_slice %arg5[%add3A_92] : memref<323584xf32, #tpu.memory_space<hbm>> -> memref<128xf32, #tpu.memory_space<hbm>>
    tpu.enqueue_dma source(%dma_start3A_130 : memref<128xf32, #tpu.memory_space<hbm>>) target(%dma_start3A_129 : memref<128xf32, #tpu.memory_space<vmem>>) target_semaphore(%dma_start3A_126 : memref<!tpu.dma_semaphore, #tpu.memory_space<semaphore_mem>>)
    %dma_wait3A = arith.constant 0 : i32
    %dma_wait3A_131 = arith.constant 0 : i32
    %dma_wait3A_132 = arith.constant 0 : i32
    %dma_wait3A_133 = arith.constant 0 : i32
    %dma_wait3A_134 = tpu.memref_slice %arg7[%dma_wait3A, %dma_wait3A_131, %dma_wait3A_133] : memref<2x2x128xi32, #tpu.memory_space<vmem>> -> memref<1x1x128xi32, #tpu.memory_space<vmem>>
    %dma_wait3A_135 = tpu.memref_squeeze %dma_wait3A_134 : memref<1x1x128xi32, #tpu.memory_space<vmem>> -> memref<128xi32, #tpu.memory_space<vmem>>
    %dma_wait3A_136 = arith.constant 0 : i32
    %dma_wait3A_137 = tpu.memref_slice %arg3[%dma_wait3A_136] : memref<323584xi32, #tpu.memory_space<hbm>> -> memref<128xi32, #tpu.memory_space<hbm>>
    %dma_wait3A_138 = tpu.memref_slice %arg12[%dma_wait3A_132] : memref<2x!tpu.dma_semaphore, #tpu.memory_space<semaphore_mem>> -> memref<1x!tpu.dma_semaphore, #tpu.memory_space<semaphore_mem>>
    %dma_wait3A_139 = tpu.memref_squeeze %dma_wait3A_138 : memref<1x!tpu.dma_semaphore, #tpu.memory_space<semaphore_mem>> -> memref<!tpu.dma_semaphore, #tpu.memory_space<semaphore_mem>>
    %dma_wait3A_140 = arith.constant 0 : i32
    %dma_wait3A_141 = tpu.memref_slice %arg7[%dma_wait3A, %dma_wait3A_131, %dma_wait3A_140] : memref<2x2x128xi32, #tpu.memory_space<vmem>> -> memref<1x1x128xi32, #tpu.memory_space<vmem>>
    %dma_wait3A_142 = tpu.memref_squeeze %dma_wait3A_141 : memref<1x1x128xi32, #tpu.memory_space<vmem>> -> memref<128xi32, #tpu.memory_space<vmem>>
    %dma_wait3A_143 = arith.constant 0 : i32
    %dma_wait3A_144 = tpu.memref_slice %arg3[%dma_wait3A_143] : memref<323584xi32, #tpu.memory_space<hbm>> -> memref<128xi32, #tpu.memory_space<hbm>>
    tpu.wait_dma2 semaphore(%dma_wait3A_139 : memref<!tpu.dma_semaphore, #tpu.memory_space<semaphore_mem>>) src(%dma_wait3A_144 : memref<128xi32, #tpu.memory_space<hbm>>) dst(%dma_wait3A_142 : memref<128xi32, #tpu.memory_space<vmem>>)
    %dma_wait3A_145 = arith.constant 0 : i32
    %dma_wait3A_146 = arith.constant 1 : i32
    %dma_wait3A_147 = arith.constant 0 : i32
    %dma_wait3A_148 = arith.constant 0 : i32
    %dma_wait3A_149 = tpu.memref_slice %arg7[%dma_wait3A_145, %dma_wait3A_146, %dma_wait3A_148] : memref<2x2x128xi32, #tpu.memory_space<vmem>> -> memref<1x1x128xi32, #tpu.memory_space<vmem>>
    %dma_wait3A_150 = tpu.memref_squeeze %dma_wait3A_149 : memref<1x1x128xi32, #tpu.memory_space<vmem>> -> memref<128xi32, #tpu.memory_space<vmem>>
    %dma_wait3A_151 = arith.constant 0 : i32
    %dma_wait3A_152 = tpu.memref_slice %arg4[%dma_wait3A_151] : memref<323584xi32, #tpu.memory_space<hbm>> -> memref<128xi32, #tpu.memory_space<hbm>>
    %dma_wait3A_153 = tpu.memref_slice %arg12[%dma_wait3A_147] : memref<2x!tpu.dma_semaphore, #tpu.memory_space<semaphore_mem>> -> memref<1x!tpu.dma_semaphore, #tpu.memory_space<semaphore_mem>>
    %dma_wait3A_154 = tpu.memref_squeeze %dma_wait3A_153 : memref<1x!tpu.dma_semaphore, #tpu.memory_space<semaphore_mem>> -> memref<!tpu.dma_semaphore, #tpu.memory_space<semaphore_mem>>
    %dma_wait3A_155 = arith.constant 0 : i32
    %dma_wait3A_156 = tpu.memref_slice %arg7[%dma_wait3A_145, %dma_wait3A_146, %dma_wait3A_155] : memref<2x2x128xi32, #tpu.memory_space<vmem>> -> memref<1x1x128xi32, #tpu.memory_space<vmem>>
    %dma_wait3A_157 = tpu.memref_squeeze %dma_wait3A_156 : memref<1x1x128xi32, #tpu.memory_space<vmem>> -> memref<128xi32, #tpu.memory_space<vmem>>
    %dma_wait3A_158 = arith.constant 0 : i32
    %dma_wait3A_159 = tpu.memref_slice %arg4[%dma_wait3A_158] : memref<323584xi32, #tpu.memory_space<hbm>> -> memref<128xi32, #tpu.memory_space<hbm>>
    tpu.wait_dma2 semaphore(%dma_wait3A_154 : memref<!tpu.dma_semaphore, #tpu.memory_space<semaphore_mem>>) src(%dma_wait3A_159 : memref<128xi32, #tpu.memory_space<hbm>>) dst(%dma_wait3A_157 : memref<128xi32, #tpu.memory_space<vmem>>)
    %dma_wait3A_160 = arith.constant 0 : i32
    %dma_wait3A_161 = arith.constant 0 : i32
    %dma_wait3A_162 = arith.constant 0 : i32
    %dma_wait3A_163 = tpu.memref_slice %arg8[%dma_wait3A_160, %dma_wait3A_162] : memref<2x128xf32, #tpu.memory_space<vmem>> -> memref<1x128xf32, #tpu.memory_space<vmem>>
    %dma_wait3A_164 = tpu.memref_squeeze %dma_wait3A_163 : memref<1x128xf32, #tpu.memory_space<vmem>> -> memref<128xf32, #tpu.memory_space<vmem>>
    %dma_wait3A_165 = arith.constant 0 : i32
    %dma_wait3A_166 = tpu.memref_slice %arg5[%dma_wait3A_165] : memref<323584xf32, #tpu.memory_space<hbm>> -> memref<128xf32, #tpu.memory_space<hbm>>
    %dma_wait3A_167 = tpu.memref_slice %arg12[%dma_wait3A_161] : memref<2x!tpu.dma_semaphore, #tpu.memory_space<semaphore_mem>> -> memref<1x!tpu.dma_semaphore, #tpu.memory_space<semaphore_mem>>
    %dma_wait3A_168 = tpu.memref_squeeze %dma_wait3A_167 : memref<1x!tpu.dma_semaphore, #tpu.memory_space<semaphore_mem>> -> memref<!tpu.dma_semaphore, #tpu.memory_space<semaphore_mem>>
    %dma_wait3A_169 = arith.constant 0 : i32
    %dma_wait3A_170 = tpu.memref_slice %arg8[%dma_wait3A_160, %dma_wait3A_169] : memref<2x128xf32, #tpu.memory_space<vmem>> -> memref<1x128xf32, #tpu.memory_space<vmem>>
    %dma_wait3A_171 = tpu.memref_squeeze %dma_wait3A_170 : memref<1x128xf32, #tpu.memory_space<vmem>> -> memref<128xf32, #tpu.memory_space<vmem>>
    %dma_wait3A_172 = arith.constant 0 : i32
    %dma_wait3A_173 = tpu.memref_slice %arg5[%dma_wait3A_172] : memref<323584xf32, #tpu.memory_space<hbm>> -> memref<128xf32, #tpu.memory_space<hbm>>
    tpu.wait_dma2 semaphore(%dma_wait3A_168 : memref<!tpu.dma_semaphore, #tpu.memory_space<semaphore_mem>>) src(%dma_wait3A_173 : memref<128xf32, #tpu.memory_space<hbm>>) dst(%dma_wait3A_171 : memref<128xf32, #tpu.memory_space<vmem>>)
    %dma_start3A_174 = arith.constant 0 : i32
    %dma_start3A_175 = arith.constant 0 : i32
    %dma_start3A_176 = arith.constant 0 : i32
    %dma_start3A_177 = arith.constant 0 : i32
    %dma_start3A_178 = arith.constant 0 : i32
    %dma_start3A_179 = arith.constant 0 : i32
    %dma_start3A_180 = tpu.memref_slice %arg9[%dma_start3A_176, %dma_start3A_178, %dma_start3A_179] : memref<2x128x64xf32, #tpu.memory_space<vmem>> -> memref<1x32x64xf32, #tpu.memory_space<vmem>>
    %dma_start3A_181 = tpu.memref_squeeze %dma_start3A_180 : memref<1x32x64xf32, #tpu.memory_space<vmem>> -> memref<32x64xf32, #tpu.memory_space<vmem>>
    %dma_start3A_182 = arith.constant 0 : i32
    %dma_start3A_183 = tpu.memref_slice %arg7[%dma_start3A_174, %dma_start3A_175, %dma_start3A_182] : memref<2x2x128xi32, #tpu.memory_space<vmem>> -> memref<1x1x32xi32, #tpu.memory_space<vmem>>
    %dma_start3A_184 = tpu.memref_squeeze %dma_start3A_183 : memref<1x1x32xi32, #tpu.memory_space<vmem>> -> memref<32xi32, #tpu.memory_space<vmem>>
    %dma_start3A_185 = arith.constant 0 : i32
    %dma_start3A_186 = arith.constant 0 : i32
    %dma_start3A_187 = tpu.memref_slice %arg2[%dma_start3A_185, %dma_start3A_186] : memref<20000x64xf32, #tpu.memory_space<hbm>> -> memref<20000x64xf32, #tpu.memory_space<hbm>>
    %dma_start3A_188 = tpu.memref_slice %arg13[%dma_start3A_177] : memref<2x!tpu.dma_semaphore, #tpu.memory_space<semaphore_mem>> -> memref<1x!tpu.dma_semaphore, #tpu.memory_space<semaphore_mem>>
    %dma_start3A_189 = tpu.memref_squeeze %dma_start3A_188 : memref<1x!tpu.dma_semaphore, #tpu.memory_space<semaphore_mem>> -> memref<!tpu.dma_semaphore, #tpu.memory_space<semaphore_mem>>
    tpu.enqueue_indirect_dma source(%dma_start3A_187 : memref<20000x64xf32, #tpu.memory_space<hbm>>) target(%dma_start3A_181 : memref<32x64xf32, #tpu.memory_space<vmem>>) offsets(%dma_start3A_184 : memref<32xi32, #tpu.memory_space<vmem>>) semaphore(%dma_start3A_189 : memref<!tpu.dma_semaphore, #tpu.memory_space<semaphore_mem>>)
    %dma_start3A_190 = arith.constant 0 : i32
    %dma_start3A_191 = arith.constant 0 : i32
    %dma_start3A_192 = arith.constant 0 : i32
    %dma_start3A_193 = arith.constant 0 : i32
    %dma_start3A_194 = arith.constant 32 : i32
    %dma_start3A_195 = arith.constant 0 : i32
    %dma_start3A_196 = tpu.memref_slice %arg9[%dma_start3A_192, %dma_start3A_194, %dma_start3A_195] : memref<2x128x64xf32, #tpu.memory_space<vmem>> -> memref<1x32x64xf32, #tpu.memory_space<vmem>>
    %dma_start3A_197 = tpu.memref_squeeze %dma_start3A_196 : memref<1x32x64xf32, #tpu.memory_space<vmem>> -> memref<32x64xf32, #tpu.memory_space<vmem>>
    %dma_start3A_198 = arith.constant 32 : i32
    %dma_start3A_199 = tpu.memref_slice %arg7[%dma_start3A_190, %dma_start3A_191, %dma_start3A_198] : memref<2x2x128xi32, #tpu.memory_space<vmem>> -> memref<1x1x32xi32, #tpu.memory_space<vmem>>
    %dma_start3A_200 = tpu.memref_squeeze %dma_start3A_199 : memref<1x1x32xi32, #tpu.memory_space<vmem>> -> memref<32xi32, #tpu.memory_space<vmem>>
    %dma_start3A_201 = arith.constant 0 : i32
    %dma_start3A_202 = arith.constant 0 : i32
    %dma_start3A_203 = tpu.memref_slice %arg2[%dma_start3A_201, %dma_start3A_202] : memref<20000x64xf32, #tpu.memory_space<hbm>> -> memref<20000x64xf32, #tpu.memory_space<hbm>>
    %dma_start3A_204 = tpu.memref_slice %arg13[%dma_start3A_193] : memref<2x!tpu.dma_semaphore, #tpu.memory_space<semaphore_mem>> -> memref<1x!tpu.dma_semaphore, #tpu.memory_space<semaphore_mem>>
    %dma_start3A_205 = tpu.memref_squeeze %dma_start3A_204 : memref<1x!tpu.dma_semaphore, #tpu.memory_space<semaphore_mem>> -> memref<!tpu.dma_semaphore, #tpu.memory_space<semaphore_mem>>
    tpu.enqueue_indirect_dma source(%dma_start3A_203 : memref<20000x64xf32, #tpu.memory_space<hbm>>) target(%dma_start3A_197 : memref<32x64xf32, #tpu.memory_space<vmem>>) offsets(%dma_start3A_200 : memref<32xi32, #tpu.memory_space<vmem>>) semaphore(%dma_start3A_205 : memref<!tpu.dma_semaphore, #tpu.memory_space<semaphore_mem>>)
    %dma_start3A_206 = arith.constant 0 : i32
    %dma_start3A_207 = arith.constant 0 : i32
    %dma_start3A_208 = arith.constant 0 : i32
    %dma_start3A_209 = arith.constant 0 : i32
    %dma_start3A_210 = arith.constant 64 : i32
    %dma_start3A_211 = arith.constant 0 : i32
    %dma_start3A_212 = tpu.memref_slice %arg9[%dma_start3A_208, %dma_start3A_210, %dma_start3A_211] : memref<2x128x64xf32, #tpu.memory_space<vmem>> -> memref<1x32x64xf32, #tpu.memory_space<vmem>>
    %dma_start3A_213 = tpu.memref_squeeze %dma_start3A_212 : memref<1x32x64xf32, #tpu.memory_space<vmem>> -> memref<32x64xf32, #tpu.memory_space<vmem>>
    %dma_start3A_214 = arith.constant 64 : i32
    %dma_start3A_215 = tpu.memref_slice %arg7[%dma_start3A_206, %dma_start3A_207, %dma_start3A_214] : memref<2x2x128xi32, #tpu.memory_space<vmem>> -> memref<1x1x32xi32, #tpu.memory_space<vmem>>
    %dma_start3A_216 = tpu.memref_squeeze %dma_start3A_215 : memref<1x1x32xi32, #tpu.memory_space<vmem>> -> memref<32xi32, #tpu.memory_space<vmem>>
    %dma_start3A_217 = arith.constant 0 : i32
    %dma_start3A_218 = arith.constant 0 : i32
    %dma_start3A_219 = tpu.memref_slice %arg2[%dma_start3A_217, %dma_start3A_218] : memref<20000x64xf32, #tpu.memory_space<hbm>> -> memref<20000x64xf32, #tpu.memory_space<hbm>>
    %dma_start3A_220 = tpu.memref_slice %arg13[%dma_start3A_209] : memref<2x!tpu.dma_semaphore, #tpu.memory_space<semaphore_mem>> -> memref<1x!tpu.dma_semaphore, #tpu.memory_space<semaphore_mem>>
    %dma_start3A_221 = tpu.memref_squeeze %dma_start3A_220 : memref<1x!tpu.dma_semaphore, #tpu.memory_space<semaphore_mem>> -> memref<!tpu.dma_semaphore, #tpu.memory_space<semaphore_mem>>
    tpu.enqueue_indirect_dma source(%dma_start3A_219 : memref<20000x64xf32, #tpu.memory_space<hbm>>) target(%dma_start3A_213 : memref<32x64xf32, #tpu.memory_space<vmem>>) offsets(%dma_start3A_216 : memref<32xi32, #tpu.memory_space<vmem>>) semaphore(%dma_start3A_221 : memref<!tpu.dma_semaphore, #tpu.memory_space<semaphore_mem>>)
    %dma_start3A_222 = arith.constant 0 : i32
    %dma_start3A_223 = arith.constant 0 : i32
    %dma_start3A_224 = arith.constant 0 : i32
    %dma_start3A_225 = arith.constant 0 : i32
    %dma_start3A_226 = arith.constant 96 : i32
    %dma_start3A_227 = arith.constant 0 : i32
    %dma_start3A_228 = tpu.memref_slice %arg9[%dma_start3A_224, %dma_start3A_226, %dma_start3A_227] : memref<2x128x64xf32, #tpu.memory_space<vmem>> -> memref<1x32x64xf32, #tpu.memory_space<vmem>>
    %dma_start3A_229 = tpu.memref_squeeze %dma_start3A_228 : memref<1x32x64xf32, #tpu.memory_space<vmem>> -> memref<32x64xf32, #tpu.memory_space<vmem>>
    %dma_start3A_230 = arith.constant 96 : i32
    %dma_start3A_231 = tpu.memref_slice %arg7[%dma_start3A_222, %dma_start3A_223, %dma_start3A_230] : memref<2x2x128xi32, #tpu.memory_space<vmem>> -> memref<1x1x32xi32, #tpu.memory_space<vmem>>
    %dma_start3A_232 = tpu.memref_squeeze %dma_start3A_231 : memref<1x1x32xi32, #tpu.memory_space<vmem>> -> memref<32xi32, #tpu.memory_space<vmem>>
    %dma_start3A_233 = arith.constant 0 : i32
    %dma_start3A_234 = arith.constant 0 : i32
    %dma_start3A_235 = tpu.memref_slice %arg2[%dma_start3A_233, %dma_start3A_234] : memref<20000x64xf32, #tpu.memory_space<hbm>> -> memref<20000x64xf32, #tpu.memory_space<hbm>>
    %dma_start3A_236 = tpu.memref_slice %arg13[%dma_start3A_225] : memref<2x!tpu.dma_semaphore, #tpu.memory_space<semaphore_mem>> -> memref<1x!tpu.dma_semaphore, #tpu.memory_space<semaphore_mem>>
    %dma_start3A_237 = tpu.memref_squeeze %dma_start3A_236 : memref<1x!tpu.dma_semaphore, #tpu.memory_space<semaphore_mem>> -> memref<!tpu.dma_semaphore, #tpu.memory_space<semaphore_mem>>
    tpu.enqueue_indirect_dma source(%dma_start3A_235 : memref<20000x64xf32, #tpu.memory_space<hbm>>) target(%dma_start3A_229 : memref<32x64xf32, #tpu.memory_space<vmem>>) offsets(%dma_start3A_232 : memref<32xi32, #tpu.memory_space<vmem>>) semaphore(%dma_start3A_237 : memref<!tpu.dma_semaphore, #tpu.memory_space<semaphore_mem>>)
    %scan3A_238 = arith.constant 0 : i32
    %scan3A_239 = arith.constant 0 : i32
    %scan3A_240 = arith.constant 79 : i32
    %scan3A_241 = arith.addi %scan3A_239, %scan3A_240 : i32
    %scan3A_242 = arith.constant 1 : i32
    scf.for %scan3A_290 = %scan3A_239 to %scan3A_241 step %scan3A_242  : i32 {
      %jit3A = arith.constant 2 : i32
      %eq3A = arith.constant 0 : i32
      %eq3A_291 = arith.cmpi eq, %jit3A, %eq3A : i32
      %jit3A_292 = arith.constant 1 : i32
      %select_n3A = arith.select %eq3A_291, %jit3A_292, %jit3A : i32
      %rem3A = arith.remsi %scan3A_290, %select_n3A : i32
      %ne3A = arith.constant 0 : i32
      %ne3A_293 = arith.cmpi ne, %rem3A, %ne3A : i32
      %lt3A = arith.constant 0 : i32
      %lt3A_294 = arith.cmpi slt, %rem3A, %lt3A : i32
      %lt3A_295 = arith.constant 0 : i32
      %lt3A_296 = arith.cmpi slt, %select_n3A, %lt3A_295 : i32
      %ne3A_297 = arith.xori %lt3A_294, %lt3A_296 : i1
      %and3A = arith.andi %ne3A_297, %ne3A_293 : i1
      %add3A_298 = arith.addi %rem3A, %select_n3A : i32
      %select_n3A_299 = arith.select %and3A, %add3A_298, %rem3A : i32
      %dma_wait3A_300 = arith.constant 0 : i32
      %dma_wait3A_301 = arith.constant 0 : i32
      %dma_wait3A_302 = arith.constant 0 : i32
      %dma_wait3A_303 = tpu.memref_slice %arg9[%select_n3A_299, %dma_wait3A_301, %dma_wait3A_302] : memref<2x128x64xf32, #tpu.memory_space<vmem>> -> memref<1x32x64xf32, #tpu.memory_space<vmem>>
      %dma_wait3A_304 = tpu.memref_squeeze %dma_wait3A_303 : memref<1x32x64xf32, #tpu.memory_space<vmem>> -> memref<32x64xf32, #tpu.memory_space<vmem>>
      %dma_wait3A_305 = arith.constant 0 : i32
      %dma_wait3A_306 = tpu.memref_slice %arg7[%select_n3A_299, %dma_wait3A_300, %dma_wait3A_305] : memref<2x2x128xi32, #tpu.memory_space<vmem>> -> memref<1x1x32xi32, #tpu.memory_space<vmem>>
      %dma_wait3A_307 = tpu.memref_squeeze %dma_wait3A_306 : memref<1x1x32xi32, #tpu.memory_space<vmem>> -> memref<32xi32, #tpu.memory_space<vmem>>
      %dma_wait3A_308 = arith.constant 0 : i32
      %dma_wait3A_309 = arith.constant 0 : i32
      %dma_wait3A_310 = tpu.memref_slice %arg2[%dma_wait3A_308, %dma_wait3A_309] : memref<20000x64xf32, #tpu.memory_space<hbm>> -> memref<20000x64xf32, #tpu.memory_space<hbm>>
      %dma_wait3A_311 = tpu.memref_slice %arg13[%select_n3A_299] : memref<2x!tpu.dma_semaphore, #tpu.memory_space<semaphore_mem>> -> memref<1x!tpu.dma_semaphore, #tpu.memory_space<semaphore_mem>>
      %dma_wait3A_312 = tpu.memref_squeeze %dma_wait3A_311 : memref<1x!tpu.dma_semaphore, #tpu.memory_space<semaphore_mem>> -> memref<!tpu.dma_semaphore, #tpu.memory_space<semaphore_mem>>
      tpu.wait_indirect_dma semaphore(%dma_wait3A_312 : memref<!tpu.dma_semaphore, #tpu.memory_space<semaphore_mem>>) src(%dma_wait3A_310 : memref<20000x64xf32, #tpu.memory_space<hbm>>) dst(%dma_wait3A_304 : memref<32x64xf32, #tpu.memory_space<vmem>>)
      %dma_wait3A_313 = arith.constant 0 : i32
      %dma_wait3A_314 = arith.constant 32 : i32
      %dma_wait3A_315 = arith.constant 0 : i32
      %dma_wait3A_316 = tpu.memref_slice %arg9[%select_n3A_299, %dma_wait3A_314, %dma_wait3A_315] : memref<2x128x64xf32, #tpu.memory_space<vmem>> -> memref<1x32x64xf32, #tpu.memory_space<vmem>>
      %dma_wait3A_317 = tpu.memref_squeeze %dma_wait3A_316 : memref<1x32x64xf32, #tpu.memory_space<vmem>> -> memref<32x64xf32, #tpu.memory_space<vmem>>
      %dma_wait3A_318 = arith.constant 32 : i32
      %dma_wait3A_319 = tpu.memref_slice %arg7[%select_n3A_299, %dma_wait3A_313, %dma_wait3A_318] : memref<2x2x128xi32, #tpu.memory_space<vmem>> -> memref<1x1x32xi32, #tpu.memory_space<vmem>>
      %dma_wait3A_320 = tpu.memref_squeeze %dma_wait3A_319 : memref<1x1x32xi32, #tpu.memory_space<vmem>> -> memref<32xi32, #tpu.memory_space<vmem>>
      %dma_wait3A_321 = arith.constant 0 : i32
      %dma_wait3A_322 = arith.constant 0 : i32
      %dma_wait3A_323 = tpu.memref_slice %arg2[%dma_wait3A_321, %dma_wait3A_322] : memref<20000x64xf32, #tpu.memory_space<hbm>> -> memref<20000x64xf32, #tpu.memory_space<hbm>>
      %dma_wait3A_324 = tpu.memref_slice %arg13[%select_n3A_299] : memref<2x!tpu.dma_semaphore, #tpu.memory_space<semaphore_mem>> -> memref<1x!tpu.dma_semaphore, #tpu.memory_space<semaphore_mem>>
      %dma_wait3A_325 = tpu.memref_squeeze %dma_wait3A_324 : memref<1x!tpu.dma_semaphore, #tpu.memory_space<semaphore_mem>> -> memref<!tpu.dma_semaphore, #tpu.memory_space<semaphore_mem>>
      tpu.wait_indirect_dma semaphore(%dma_wait3A_325 : memref<!tpu.dma_semaphore, #tpu.memory_space<semaphore_mem>>) src(%dma_wait3A_323 : memref<20000x64xf32, #tpu.memory_space<hbm>>) dst(%dma_wait3A_317 : memref<32x64xf32, #tpu.memory_space<vmem>>)
      %dma_wait3A_326 = arith.constant 0 : i32
      %dma_wait3A_327 = arith.constant 64 : i32
      %dma_wait3A_328 = arith.constant 0 : i32
      %dma_wait3A_329 = tpu.memref_slice %arg9[%select_n3A_299, %dma_wait3A_327, %dma_wait3A_328] : memref<2x128x64xf32, #tpu.memory_space<vmem>> -> memref<1x32x64xf32, #tpu.memory_space<vmem>>
      %dma_wait3A_330 = tpu.memref_squeeze %dma_wait3A_329 : memref<1x32x64xf32, #tpu.memory_space<vmem>> -> memref<32x64xf32, #tpu.memory_space<vmem>>
      %dma_wait3A_331 = arith.constant 64 : i32
      %dma_wait3A_332 = tpu.memref_slice %arg7[%select_n3A_299, %dma_wait3A_326, %dma_wait3A_331] : memref<2x2x128xi32, #tpu.memory_space<vmem>> -> memref<1x1x32xi32, #tpu.memory_space<vmem>>
      %dma_wait3A_333 = tpu.memref_squeeze %dma_wait3A_332 : memref<1x1x32xi32, #tpu.memory_space<vmem>> -> memref<32xi32, #tpu.memory_space<vmem>>
      %dma_wait3A_334 = arith.constant 0 : i32
      %dma_wait3A_335 = arith.constant 0 : i32
      %dma_wait3A_336 = tpu.memref_slice %arg2[%dma_wait3A_334, %dma_wait3A_335] : memref<20000x64xf32, #tpu.memory_space<hbm>> -> memref<20000x64xf32, #tpu.memory_space<hbm>>
      %dma_wait3A_337 = tpu.memref_slice %arg13[%select_n3A_299] : memref<2x!tpu.dma_semaphore, #tpu.memory_space<semaphore_mem>> -> memref<1x!tpu.dma_semaphore, #tpu.memory_space<semaphore_mem>>
      %dma_wait3A_338 = tpu.memref_squeeze %dma_wait3A_337 : memref<1x!tpu.dma_semaphore, #tpu.memory_space<semaphore_mem>> -> memref<!tpu.dma_semaphore, #tpu.memory_space<semaphore_mem>>
      tpu.wait_indirect_dma semaphore(%dma_wait3A_338 : memref<!tpu.dma_semaphore, #tpu.memory_space<semaphore_mem>>) src(%dma_wait3A_336 : memref<20000x64xf32, #tpu.memory_space<hbm>>) dst(%dma_wait3A_330 : memref<32x64xf32, #tpu.memory_space<vmem>>)
      %dma_wait3A_339 = arith.constant 0 : i32
      %dma_wait3A_340 = arith.constant 96 : i32
      %dma_wait3A_341 = arith.constant 0 : i32
      %dma_wait3A_342 = tpu.memref_slice %arg9[%select_n3A_299, %dma_wait3A_340, %dma_wait3A_341] : memref<2x128x64xf32, #tpu.memory_space<vmem>> -> memref<1x32x64xf32, #tpu.memory_space<vmem>>
      %dma_wait3A_343 = tpu.memref_squeeze %dma_wait3A_342 : memref<1x32x64xf32, #tpu.memory_space<vmem>> -> memref<32x64xf32, #tpu.memory_space<vmem>>
      %dma_wait3A_344 = arith.constant 96 : i32
      %dma_wait3A_345 = tpu.memref_slice %arg7[%select_n3A_299, %dma_wait3A_339, %dma_wait3A_344] : memref<2x2x128xi32, #tpu.memory_space<vmem>> -> memref<1x1x32xi32, #tpu.memory_space<vmem>>
      %dma_wait3A_346 = tpu.memref_squeeze %dma_wait3A_345 : memref<1x1x32xi32, #tpu.memory_space<vmem>> -> memref<32xi32, #tpu.memory_space<vmem>>
      %dma_wait3A_347 = arith.constant 0 : i32
      %dma_wait3A_348 = arith.constant 0 : i32
      %dma_wait3A_349 = tpu.memref_slice %arg2[%dma_wait3A_347, %dma_wait3A_348] : memref<20000x64xf32, #tpu.memory_space<hbm>> -> memref<20000x64xf32, #tpu.memory_space<hbm>>
      %dma_wait3A_350 = tpu.memref_slice %arg13[%select_n3A_299] : memref<2x!tpu.dma_semaphore, #tpu.memory_space<semaphore_mem>> -> memref<1x!tpu.dma_semaphore, #tpu.memory_space<semaphore_mem>>
      %dma_wait3A_351 = tpu.memref_squeeze %dma_wait3A_350 : memref<1x!tpu.dma_semaphore, #tpu.memory_space<semaphore_mem>> -> memref<!tpu.dma_semaphore, #tpu.memory_space<semaphore_mem>>
      tpu.wait_indirect_dma semaphore(%dma_wait3A_351 : memref<!tpu.dma_semaphore, #tpu.memory_space<semaphore_mem>>) src(%dma_wait3A_349 : memref<20000x64xf32, #tpu.memory_space<hbm>>) dst(%dma_wait3A_343 : memref<32x64xf32, #tpu.memory_space<vmem>>)
      %add3A_352 = arith.constant 2 : i32
      %add3A_353 = arith.addi %scan3A_290, %add3A_352 : i32
      %sub3A = arith.constant 1 : i32
      %sub3A_354 = arith.subi %add3A_353, %sub3A : i32
      %lt3A_355 = arith.constant 79 : i32
      %lt3A_356 = arith.cmpi slt, %sub3A_354, %lt3A_355 : i32
      %convert_element_type3A_357 = arith.extui %lt3A_356 : i1 to i32
      %cond3A_358 = arith.constant 0 : i32
      %cond3A_359 = arith.cmpi ne, %convert_element_type3A_357, %cond3A_358 : i32
      scf.if %cond3A_359 {
        %add3A_367 = arith.constant 2 : i32
        %add3A_368 = arith.addi %scan3A_290, %add3A_367 : i32
        %sub3A_369 = arith.constant 1 : i32
        %sub3A_370 = arith.subi %add3A_368, %sub3A_369 : i32
        %jit3A_371 = arith.constant 2 : i32
        %eq3A_372 = arith.constant 0 : i32
        %eq3A_373 = arith.cmpi eq, %jit3A_371, %eq3A_372 : i32
        %jit3A_374 = arith.constant 1 : i32
        %select_n3A_375 = arith.select %eq3A_373, %jit3A_374, %jit3A_371 : i32
        %rem3A_376 = arith.remsi %sub3A_370, %select_n3A_375 : i32
        %ne3A_377 = arith.constant 0 : i32
        %ne3A_378 = arith.cmpi ne, %rem3A_376, %ne3A_377 : i32
        %lt3A_379 = arith.constant 0 : i32
        %lt3A_380 = arith.cmpi slt, %rem3A_376, %lt3A_379 : i32
        %lt3A_381 = arith.constant 0 : i32
        %lt3A_382 = arith.cmpi slt, %select_n3A_375, %lt3A_381 : i32
        %ne3A_383 = arith.xori %lt3A_380, %lt3A_382 : i1
        %and3A_384 = arith.andi %ne3A_383, %ne3A_378 : i1
        %add3A_385 = arith.addi %rem3A_376, %select_n3A_375 : i32
        %select_n3A_386 = arith.select %and3A_384, %add3A_385, %rem3A_376 : i32
        %dma_wait3A_387 = arith.constant 0 : i32
        %dma_wait3A_388 = arith.constant 0 : i32
        %dma_wait3A_389 = tpu.memref_slice %arg7[%select_n3A_386, %dma_wait3A_387, %dma_wait3A_388] : memref<2x2x128xi32, #tpu.memory_space<vmem>> -> memref<1x1x128xi32, #tpu.memory_space<vmem>>
        %dma_wait3A_390 = tpu.memref_squeeze %dma_wait3A_389 : memref<1x1x128xi32, #tpu.memory_space<vmem>> -> memref<128xi32, #tpu.memory_space<vmem>>
        %dma_wait3A_391 = arith.constant 0 : i32
        %dma_wait3A_392 = tpu.memref_slice %arg3[%dma_wait3A_391] : memref<323584xi32, #tpu.memory_space<hbm>> -> memref<128xi32, #tpu.memory_space<hbm>>
        %dma_wait3A_393 = tpu.memref_slice %arg12[%select_n3A_386] : memref<2x!tpu.dma_semaphore, #tpu.memory_space<semaphore_mem>> -> memref<1x!tpu.dma_semaphore, #tpu.memory_space<semaphore_mem>>
        %dma_wait3A_394 = tpu.memref_squeeze %dma_wait3A_393 : memref<1x!tpu.dma_semaphore, #tpu.memory_space<semaphore_mem>> -> memref<!tpu.dma_semaphore, #tpu.memory_space<semaphore_mem>>
        %dma_wait3A_395 = arith.constant 0 : i32
        %dma_wait3A_396 = tpu.memref_slice %arg7[%select_n3A_386, %dma_wait3A_387, %dma_wait3A_395] : memref<2x2x128xi32, #tpu.memory_space<vmem>> -> memref<1x1x128xi32, #tpu.memory_space<vmem>>
        %dma_wait3A_397 = tpu.memref_squeeze %dma_wait3A_396 : memref<1x1x128xi32, #tpu.memory_space<vmem>> -> memref<128xi32, #tpu.memory_space<vmem>>
        %dma_wait3A_398 = arith.constant 0 : i32
        %dma_wait3A_399 = tpu.memref_slice %arg3[%dma_wait3A_398] : memref<323584xi32, #tpu.memory_space<hbm>> -> memref<128xi32, #tpu.memory_space<hbm>>
        tpu.wait_dma2 semaphore(%dma_wait3A_394 : memref<!tpu.dma_semaphore, #tpu.memory_space<semaphore_mem>>) src(%dma_wait3A_399 : memref<128xi32, #tpu.memory_space<hbm>>) dst(%dma_wait3A_397 : memref<128xi32, #tpu.memory_space<vmem>>)
        %dma_wait3A_400 = arith.constant 1 : i32
        %dma_wait3A_401 = arith.constant 0 : i32
        %dma_wait3A_402 = tpu.memref_slice %arg7[%select_n3A_386, %dma_wait3A_400, %dma_wait3A_401] : memref<2x2x128xi32, #tpu.memory_space<vmem>> -> memref<1x1x128xi32, #tpu.memory_space<vmem>>
        %dma_wait3A_403 = tpu.memref_squeeze %dma_wait3A_402 : memref<1x1x128xi32, #tpu.memory_space<vmem>> -> memref<128xi32, #tpu.memory_space<vmem>>
        %dma_wait3A_404 = arith.constant 0 : i32
        %dma_wait3A_405 = tpu.memref_slice %arg4[%dma_wait3A_404] : memref<323584xi32, #tpu.memory_space<hbm>> -> memref<128xi32, #tpu.memory_space<hbm>>
        %dma_wait3A_406 = tpu.memref_slice %arg12[%select_n3A_386] : memref<2x!tpu.dma_semaphore, #tpu.memory_space<semaphore_mem>> -> memref<1x!tpu.dma_semaphore, #tpu.memory_space<semaphore_mem>>
        %dma_wait3A_407 = tpu.memref_squeeze %dma_wait3A_406 : memref<1x!tpu.dma_semaphore, #tpu.memory_space<semaphore_mem>> -> memref<!tpu.dma_semaphore, #tpu.memory_space<semaphore_mem>>
        %dma_wait3A_408 = arith.constant 0 : i32
        %dma_wait3A_409 = tpu.memref_slice %arg7[%select_n3A_386, %dma_wait3A_400, %dma_wait3A_408] : memref<2x2x128xi32, #tpu.memory_space<vmem>> -> memref<1x1x128xi32, #tpu.memory_space<vmem>>
        %dma_wait3A_410 = tpu.memref_squeeze %dma_wait3A_409 : memref<1x1x128xi32, #tpu.memory_space<vmem>> -> memref<128xi32, #tpu.memory_space<vmem>>
        %dma_wait3A_411 = arith.constant 0 : i32
        %dma_wait3A_412 = tpu.memref_slice %arg4[%dma_wait3A_411] : memref<323584xi32, #tpu.memory_space<hbm>> -> memref<128xi32, #tpu.memory_space<hbm>>
        tpu.wait_dma2 semaphore(%dma_wait3A_407 : memref<!tpu.dma_semaphore, #tpu.memory_space<semaphore_mem>>) src(%dma_wait3A_412 : memref<128xi32, #tpu.memory_space<hbm>>) dst(%dma_wait3A_410 : memref<128xi32, #tpu.memory_space<vmem>>)
        %dma_wait3A_413 = arith.constant 0 : i32
        %dma_wait3A_414 = tpu.memref_slice %arg8[%select_n3A_386, %dma_wait3A_413] : memref<2x128xf32, #tpu.memory_space<vmem>> -> memref<1x128xf32, #tpu.memory_space<vmem>>
        %dma_wait3A_415 = tpu.memref_squeeze %dma_wait3A_414 : memref<1x128xf32, #tpu.memory_space<vmem>> -> memref<128xf32, #tpu.memory_space<vmem>>
        %dma_wait3A_416 = arith.constant 0 : i32
        %dma_wait3A_417 = tpu.memref_slice %arg5[%dma_wait3A_416] : memref<323584xf32, #tpu.memory_space<hbm>> -> memref<128xf32, #tpu.memory_space<hbm>>
        %dma_wait3A_418 = tpu.memref_slice %arg12[%select_n3A_386] : memref<2x!tpu.dma_semaphore, #tpu.memory_space<semaphore_mem>> -> memref<1x!tpu.dma_semaphore, #tpu.memory_space<semaphore_mem>>
        %dma_wait3A_419 = tpu.memref_squeeze %dma_wait3A_418 : memref<1x!tpu.dma_semaphore, #tpu.memory_space<semaphore_mem>> -> memref<!tpu.dma_semaphore, #tpu.memory_space<semaphore_mem>>
        %dma_wait3A_420 = arith.constant 0 : i32
        %dma_wait3A_421 = tpu.memref_slice %arg8[%select_n3A_386, %dma_wait3A_420] : memref<2x128xf32, #tpu.memory_space<vmem>> -> memref<1x128xf32, #tpu.memory_space<vmem>>
        %dma_wait3A_422 = tpu.memref_squeeze %dma_wait3A_421 : memref<1x128xf32, #tpu.memory_space<vmem>> -> memref<128xf32, #tpu.memory_space<vmem>>
        %dma_wait3A_423 = arith.constant 0 : i32
        %dma_wait3A_424 = tpu.memref_slice %arg5[%dma_wait3A_423] : memref<323584xf32, #tpu.memory_space<hbm>> -> memref<128xf32, #tpu.memory_space<hbm>>
        tpu.wait_dma2 semaphore(%dma_wait3A_419 : memref<!tpu.dma_semaphore, #tpu.memory_space<semaphore_mem>>) src(%dma_wait3A_424 : memref<128xf32, #tpu.memory_space<hbm>>) dst(%dma_wait3A_422 : memref<128xf32, #tpu.memory_space<vmem>>)
        %dma_start3A_425 = arith.constant 0 : i32
        %dma_start3A_426 = arith.constant 0 : i32
        %dma_start3A_427 = arith.constant 0 : i32
        %dma_start3A_428 = tpu.memref_slice %arg9[%select_n3A_386, %dma_start3A_426, %dma_start3A_427] : memref<2x128x64xf32, #tpu.memory_space<vmem>> -> memref<1x32x64xf32, #tpu.memory_space<vmem>>
        %dma_start3A_429 = tpu.memref_squeeze %dma_start3A_428 : memref<1x32x64xf32, #tpu.memory_space<vmem>> -> memref<32x64xf32, #tpu.memory_space<vmem>>
        %dma_start3A_430 = arith.constant 0 : i32
        %dma_start3A_431 = tpu.memref_slice %arg7[%select_n3A_386, %dma_start3A_425, %dma_start3A_430] : memref<2x2x128xi32, #tpu.memory_space<vmem>> -> memref<1x1x32xi32, #tpu.memory_space<vmem>>
        %dma_start3A_432 = tpu.memref_squeeze %dma_start3A_431 : memref<1x1x32xi32, #tpu.memory_space<vmem>> -> memref<32xi32, #tpu.memory_space<vmem>>
        %dma_start3A_433 = arith.constant 0 : i32
        %dma_start3A_434 = arith.constant 0 : i32
        %dma_start3A_435 = tpu.memref_slice %arg2[%dma_start3A_433, %dma_start3A_434] : memref<20000x64xf32, #tpu.memory_space<hbm>> -> memref<20000x64xf32, #tpu.memory_space<hbm>>
        %dma_start3A_436 = tpu.memref_slice %arg13[%select_n3A_386] : memref<2x!tpu.dma_semaphore, #tpu.memory_space<semaphore_mem>> -> memref<1x!tpu.dma_semaphore, #tpu.memory_space<semaphore_mem>>
        %dma_start3A_437 = tpu.memref_squeeze %dma_start3A_436 : memref<1x!tpu.dma_semaphore, #tpu.memory_space<semaphore_mem>> -> memref<!tpu.dma_semaphore, #tpu.memory_space<semaphore_mem>>
        tpu.enqueue_indirect_dma source(%dma_start3A_435 : memref<20000x64xf32, #tpu.memory_space<hbm>>) target(%dma_start3A_429 : memref<32x64xf32, #tpu.memory_space<vmem>>) offsets(%dma_start3A_432 : memref<32xi32, #tpu.memory_space<vmem>>) semaphore(%dma_start3A_437 : memref<!tpu.dma_semaphore, #tpu.memory_space<semaphore_mem>>)
        %dma_start3A_438 = arith.constant 0 : i32
        %dma_start3A_439 = arith.constant 32 : i32
        %dma_start3A_440 = arith.constant 0 : i32
        %dma_start3A_441 = tpu.memref_slice %arg9[%select_n3A_386, %dma_start3A_439, %dma_start3A_440] : memref<2x128x64xf32, #tpu.memory_space<vmem>> -> memref<1x32x64xf32, #tpu.memory_space<vmem>>
        %dma_start3A_442 = tpu.memref_squeeze %dma_start3A_441 : memref<1x32x64xf32, #tpu.memory_space<vmem>> -> memref<32x64xf32, #tpu.memory_space<vmem>>
        %dma_start3A_443 = arith.constant 32 : i32
        %dma_start3A_444 = tpu.memref_slice %arg7[%select_n3A_386, %dma_start3A_438, %dma_start3A_443] : memref<2x2x128xi32, #tpu.memory_space<vmem>> -> memref<1x1x32xi32, #tpu.memory_space<vmem>>
        %dma_start3A_445 = tpu.memref_squeeze %dma_start3A_444 : memref<1x1x32xi32, #tpu.memory_space<vmem>> -> memref<32xi32, #tpu.memory_space<vmem>>
        %dma_start3A_446 = arith.constant 0 : i32
        %dma_start3A_447 = arith.constant 0 : i32
        %dma_start3A_448 = tpu.memref_slice %arg2[%dma_start3A_446, %dma_start3A_447] : memref<20000x64xf32, #tpu.memory_space<hbm>> -> memref<20000x64xf32, #tpu.memory_space<hbm>>
        %dma_start3A_449 = tpu.memref_slice %arg13[%select_n3A_386] : memref<2x!tpu.dma_semaphore, #tpu.memory_space<semaphore_mem>> -> memref<1x!tpu.dma_semaphore, #tpu.memory_space<semaphore_mem>>
        %dma_start3A_450 = tpu.memref_squeeze %dma_start3A_449 : memref<1x!tpu.dma_semaphore, #tpu.memory_space<semaphore_mem>> -> memref<!tpu.dma_semaphore, #tpu.memory_space<semaphore_mem>>
        tpu.enqueue_indirect_dma source(%dma_start3A_448 : memref<20000x64xf32, #tpu.memory_space<hbm>>) target(%dma_start3A_442 : memref<32x64xf32, #tpu.memory_space<vmem>>) offsets(%dma_start3A_445 : memref<32xi32, #tpu.memory_space<vmem>>) semaphore(%dma_start3A_450 : memref<!tpu.dma_semaphore, #tpu.memory_space<semaphore_mem>>)
        %dma_start3A_451 = arith.constant 0 : i32
        %dma_start3A_452 = arith.constant 64 : i32
        %dma_start3A_453 = arith.constant 0 : i32
        %dma_start3A_454 = tpu.memref_slice %arg9[%select_n3A_386, %dma_start3A_452, %dma_start3A_453] : memref<2x128x64xf32, #tpu.memory_space<vmem>> -> memref<1x32x64xf32, #tpu.memory_space<vmem>>
        %dma_start3A_455 = tpu.memref_squeeze %dma_start3A_454 : memref<1x32x64xf32, #tpu.memory_space<vmem>> -> memref<32x64xf32, #tpu.memory_space<vmem>>
        %dma_start3A_456 = arith.constant 64 : i32
        %dma_start3A_457 = tpu.memref_slice %arg7[%select_n3A_386, %dma_start3A_451, %dma_start3A_456] : memref<2x2x128xi32, #tpu.memory_space<vmem>> -> memref<1x1x32xi32, #tpu.memory_space<vmem>>
        %dma_start3A_458 = tpu.memref_squeeze %dma_start3A_457 : memref<1x1x32xi32, #tpu.memory_space<vmem>> -> memref<32xi32, #tpu.memory_space<vmem>>
        %dma_start3A_459 = arith.constant 0 : i32
        %dma_start3A_460 = arith.constant 0 : i32
        %dma_start3A_461 = tpu.memref_slice %arg2[%dma_start3A_459, %dma_start3A_460] : memref<20000x64xf32, #tpu.memory_space<hbm>> -> memref<20000x64xf32, #tpu.memory_space<hbm>>
        %dma_start3A_462 = tpu.memref_slice %arg13[%select_n3A_386] : memref<2x!tpu.dma_semaphore, #tpu.memory_space<semaphore_mem>> -> memref<1x!tpu.dma_semaphore, #tpu.memory_space<semaphore_mem>>
        %dma_start3A_463 = tpu.memref_squeeze %dma_start3A_462 : memref<1x!tpu.dma_semaphore, #tpu.memory_space<semaphore_mem>> -> memref<!tpu.dma_semaphore, #tpu.memory_space<semaphore_mem>>
        tpu.enqueue_indirect_dma source(%dma_start3A_461 : memref<20000x64xf32, #tpu.memory_space<hbm>>) target(%dma_start3A_455 : memref<32x64xf32, #tpu.memory_space<vmem>>) offsets(%dma_start3A_458 : memref<32xi32, #tpu.memory_space<vmem>>) semaphore(%dma_start3A_463 : memref<!tpu.dma_semaphore, #tpu.memory_space<semaphore_mem>>)
        %dma_start3A_464 = arith.constant 0 : i32
        %dma_start3A_465 = arith.constant 96 : i32
        %dma_start3A_466 = arith.constant 0 : i32
        %dma_start3A_467 = tpu.memref_slice %arg9[%select_n3A_386, %dma_start3A_465, %dma_start3A_466] : memref<2x128x64xf32, #tpu.memory_space<vmem>> -> memref<1x32x64xf32, #tpu.memory_space<vmem>>
        %dma_start3A_468 = tpu.memref_squeeze %dma_start3A_467 : memref<1x32x64xf32, #tpu.memory_space<vmem>> -> memref<32x64xf32, #tpu.memory_space<vmem>>
        %dma_start3A_469 = arith.constant 96 : i32
        %dma_start3A_470 = tpu.memref_slice %arg7[%select_n3A_386, %dma_start3A_464, %dma_start3A_469] : memref<2x2x128xi32, #tpu.memory_space<vmem>> -> memref<1x1x32xi32, #tpu.memory_space<vmem>>
        %dma_start3A_471 = tpu.memref_squeeze %dma_start3A_470 : memref<1x1x32xi32, #tpu.memory_space<vmem>> -> memref<32xi32, #tpu.memory_space<vmem>>
        %dma_start3A_472 = arith.constant 0 : i32
        %dma_start3A_473 = arith.constant 0 : i32
        %dma_start3A_474 = tpu.memref_slice %arg2[%dma_start3A_472, %dma_start3A_473] : memref<20000x64xf32, #tpu.memory_space<hbm>> -> memref<20000x64xf32, #tpu.memory_space<hbm>>
        %dma_start3A_475 = tpu.memref_slice %arg13[%select_n3A_386] : memref<2x!tpu.dma_semaphore, #tpu.memory_space<semaphore_mem>> -> memref<1x!tpu.dma_semaphore, #tpu.memory_space<semaphore_mem>>
        %dma_start3A_476 = tpu.memref_squeeze %dma_start3A_475 : memref<1x!tpu.dma_semaphore, #tpu.memory_space<semaphore_mem>> -> memref<!tpu.dma_semaphore, #tpu.memory_space<semaphore_mem>>
        tpu.enqueue_indirect_dma source(%dma_start3A_474 : memref<20000x64xf32, #tpu.memory_space<hbm>>) target(%dma_start3A_468 : memref<32x64xf32, #tpu.memory_space<vmem>>) offsets(%dma_start3A_471 : memref<32xi32, #tpu.memory_space<vmem>>) semaphore(%dma_start3A_476 : memref<!tpu.dma_semaphore, #tpu.memory_space<semaphore_mem>>)
      } else {
      }
      %add3A_360 = arith.constant 2 : i32
      %add3A_361 = arith.addi %scan3A_290, %add3A_360 : i32
      %lt3A_362 = arith.constant 79 : i32
      %lt3A_363 = arith.cmpi slt, %add3A_361, %lt3A_362 : i32
      %convert_element_type3A_364 = arith.extui %lt3A_363 : i1 to i32
      %cond3A_365 = arith.constant 0 : i32
      %cond3A_366 = arith.cmpi ne, %convert_element_type3A_364, %cond3A_365 : i32
      scf.if %cond3A_366 {
        %add3A_367 = arith.constant 2 : i32
        %add3A_368 = arith.addi %scan3A_290, %add3A_367 : i32
        %mul3A_369 = arith.constant 128 : i32
        %mul3A_370 = arith.muli %add3A_368, %mul3A_369 : i32
        %add3A_371 = arith.addi %mul3A_2, %mul3A_370 : i32
        %dma_start3A_372 = arith.constant 0 : i32
        %dma_start3A_373 = arith.constant 0 : i32
        %dma_start3A_374 = tpu.memref_slice %arg7[%select_n3A_299, %dma_start3A_372, %dma_start3A_373] : memref<2x2x128xi32, #tpu.memory_space<vmem>> -> memref<1x1x128xi32, #tpu.memory_space<vmem>>
        %dma_start3A_375 = tpu.memref_squeeze %dma_start3A_374 : memref<1x1x128xi32, #tpu.memory_space<vmem>> -> memref<128xi32, #tpu.memory_space<vmem>>
        %dma_start3A_376 = tpu.memref_slice %arg3[%add3A_371] : memref<323584xi32, #tpu.memory_space<hbm>> -> memref<128xi32, #tpu.memory_space<hbm>>
        %dma_start3A_377 = tpu.memref_slice %arg12[%select_n3A_299] : memref<2x!tpu.dma_semaphore, #tpu.memory_space<semaphore_mem>> -> memref<1x!tpu.dma_semaphore, #tpu.memory_space<semaphore_mem>>
        %dma_start3A_378 = tpu.memref_squeeze %dma_start3A_377 : memref<1x!tpu.dma_semaphore, #tpu.memory_space<semaphore_mem>> -> memref<!tpu.dma_semaphore, #tpu.memory_space<semaphore_mem>>
        %dma_start3A_379 = arith.constant 0 : i32
        %dma_start3A_380 = tpu.memref_slice %arg7[%select_n3A_299, %dma_start3A_372, %dma_start3A_379] : memref<2x2x128xi32, #tpu.memory_space<vmem>> -> memref<1x1x128xi32, #tpu.memory_space<vmem>>
        %dma_start3A_381 = tpu.memref_squeeze %dma_start3A_380 : memref<1x1x128xi32, #tpu.memory_space<vmem>> -> memref<128xi32, #tpu.memory_space<vmem>>
        %dma_start3A_382 = tpu.memref_slice %arg3[%add3A_371] : memref<323584xi32, #tpu.memory_space<hbm>> -> memref<128xi32, #tpu.memory_space<hbm>>
        tpu.enqueue_dma source(%dma_start3A_382 : memref<128xi32, #tpu.memory_space<hbm>>) target(%dma_start3A_381 : memref<128xi32, #tpu.memory_space<vmem>>) target_semaphore(%dma_start3A_378 : memref<!tpu.dma_semaphore, #tpu.memory_space<semaphore_mem>>)
        %dma_start3A_383 = arith.constant 1 : i32
        %dma_start3A_384 = arith.constant 0 : i32
        %dma_start3A_385 = tpu.memref_slice %arg7[%select_n3A_299, %dma_start3A_383, %dma_start3A_384] : memref<2x2x128xi32, #tpu.memory_space<vmem>> -> memref<1x1x128xi32, #tpu.memory_space<vmem>>
        %dma_start3A_386 = tpu.memref_squeeze %dma_start3A_385 : memref<1x1x128xi32, #tpu.memory_space<vmem>> -> memref<128xi32, #tpu.memory_space<vmem>>
        %dma_start3A_387 = tpu.memref_slice %arg4[%add3A_371] : memref<323584xi32, #tpu.memory_space<hbm>> -> memref<128xi32, #tpu.memory_space<hbm>>
        %dma_start3A_388 = tpu.memref_slice %arg12[%select_n3A_299] : memref<2x!tpu.dma_semaphore, #tpu.memory_space<semaphore_mem>> -> memref<1x!tpu.dma_semaphore, #tpu.memory_space<semaphore_mem>>
        %dma_start3A_389 = tpu.memref_squeeze %dma_start3A_388 : memref<1x!tpu.dma_semaphore, #tpu.memory_space<semaphore_mem>> -> memref<!tpu.dma_semaphore, #tpu.memory_space<semaphore_mem>>
        %dma_start3A_390 = arith.constant 0 : i32
        %dma_start3A_391 = tpu.memref_slice %arg7[%select_n3A_299, %dma_start3A_383, %dma_start3A_390] : memref<2x2x128xi32, #tpu.memory_space<vmem>> -> memref<1x1x128xi32, #tpu.memory_space<vmem>>
        %dma_start3A_392 = tpu.memref_squeeze %dma_start3A_391 : memref<1x1x128xi32, #tpu.memory_space<vmem>> -> memref<128xi32, #tpu.memory_space<vmem>>
        %dma_start3A_393 = tpu.memref_slice %arg4[%add3A_371] : memref<323584xi32, #tpu.memory_space<hbm>> -> memref<128xi32, #tpu.memory_space<hbm>>
        tpu.enqueue_dma source(%dma_start3A_393 : memref<128xi32, #tpu.memory_space<hbm>>) target(%dma_start3A_392 : memref<128xi32, #tpu.memory_space<vmem>>) target_semaphore(%dma_start3A_389 : memref<!tpu.dma_semaphore, #tpu.memory_space<semaphore_mem>>)
        %dma_start3A_394 = arith.constant 0 : i32
        %dma_start3A_395 = tpu.memref_slice %arg8[%select_n3A_299, %dma_start3A_394] : memref<2x128xf32, #tpu.memory_space<vmem>> -> memref<1x128xf32, #tpu.memory_space<vmem>>
        %dma_start3A_396 = tpu.memref_squeeze %dma_start3A_395 : memref<1x128xf32, #tpu.memory_space<vmem>> -> memref<128xf32, #tpu.memory_space<vmem>>
        %dma_start3A_397 = tpu.memref_slice %arg5[%add3A_371] : memref<323584xf32, #tpu.memory_space<hbm>> -> memref<128xf32, #tpu.memory_space<hbm>>
        %dma_start3A_398 = tpu.memref_slice %arg12[%select_n3A_299] : memref<2x!tpu.dma_semaphore, #tpu.memory_space<semaphore_mem>> -> memref<1x!tpu.dma_semaphore, #tpu.memory_space<semaphore_mem>>
        %dma_start3A_399 = tpu.memref_squeeze %dma_start3A_398 : memref<1x!tpu.dma_semaphore, #tpu.memory_space<semaphore_mem>> -> memref<!tpu.dma_semaphore, #tpu.memory_space<semaphore_mem>>
        %dma_start3A_400 = arith.constant 0 : i32
        %dma_start3A_401 = tpu.memref_slice %arg8[%select_n3A_299, %dma_start3A_400] : memref<2x128xf32, #tpu.memory_space<vmem>> -> memref<1x128xf32, #tpu.memory_space<vmem>>
        %dma_start3A_402 = tpu.memref_squeeze %dma_start3A_401 : memref<1x128xf32, #tpu.memory_space<vmem>> -> memref<128xf32, #tpu.memory_space<vmem>>
        %dma_start3A_403 = tpu.memref_slice %arg5[%add3A_371] : memref<323584xf32, #tpu.memory_space<hbm>> -> memref<128xf32, #tpu.memory_space<hbm>>
        tpu.enqueue_dma source(%dma_start3A_403 : memref<128xf32, #tpu.memory_space<hbm>>) target(%dma_start3A_402 : memref<128xf32, #tpu.memory_space<vmem>>) target_semaphore(%dma_start3A_399 : memref<!tpu.dma_semaphore, #tpu.memory_space<semaphore_mem>>)
      } else {
      }
    }
    %scan3A_243 = arith.constant 79 : i32
    %barrier3A_244 = arith.constant 0 : index
    tpu.barrier barrier_id(%barrier3A_244)
    %add3A_245 = arith.constant 0 : i32
    %add3A_246 = arith.addi %mul3A_9, %add3A_245 : i32
    %add3A_247 = arith.constant 128 : i32
    %add3A_248 = arith.addi %add3A_246, %add3A_247 : i32
    %le3A_249 = arith.constant 10112 : i32
    %le3A_250 = arith.cmpi sle, %add3A_248, %le3A_249 : i32
    %convert_element_type3A_251 = arith.extui %le3A_250 : i1 to i32
    %cond3A_252 = arith.constant 0 : i32
    %cond3A_253 = arith.cmpi ne, %convert_element_type3A_251, %cond3A_252 : i32
    scf.if %cond3A_253 {
      %dma_start3A_290 = arith.constant 1 : i32
      %dma_start3A_291 = tpu.memref_slice %arg13[%dma_start3A_290] : memref<2x!tpu.dma_semaphore, #tpu.memory_space<semaphore_mem>> -> memref<1x!tpu.dma_semaphore, #tpu.memory_space<semaphore_mem>>
      %dma_start3A_292 = tpu.memref_squeeze %dma_start3A_291 : memref<1x!tpu.dma_semaphore, #tpu.memory_space<semaphore_mem>> -> memref<!tpu.dma_semaphore, #tpu.memory_space<semaphore_mem>>
      %dma_start3A_293 = arith.constant 0 : i32
      %dma_start3A_294 = tpu.memref_slice %arg6[%arg0, %add3A_246, %dma_start3A_293] : memref<2x10240x128xf32, #tpu.memory_space<hbm>> -> memref<1x128x128xf32, #tpu.memory_space<hbm>>
      %dma_start3A_295 = tpu.memref_squeeze %dma_start3A_294 : memref<1x128x128xf32, #tpu.memory_space<hbm>> -> memref<128x128xf32, #tpu.memory_space<hbm>>
      %dma_start3A_296 = arith.constant 0 : i32
      %dma_start3A_297 = tpu.memref_slice %arg11[%add3A_246, %dma_start3A_296] : memref<10112x128xf32, #tpu.memory_space<vmem_shared>> -> memref<128x128xf32, #tpu.memory_space<vmem_shared>>
      tpu.enqueue_dma source(%dma_start3A_297 : memref<128x128xf32, #tpu.memory_space<vmem_shared>>) target(%dma_start3A_295 : memref<128x128xf32, #tpu.memory_space<hbm>>) target_semaphore(%dma_start3A_292 : memref<!tpu.dma_semaphore, #tpu.memory_space<semaphore_mem>>)
      %dma_wait3A_298 = arith.constant 1 : i32
      %dma_wait3A_299 = tpu.memref_slice %arg13[%dma_wait3A_298] : memref<2x!tpu.dma_semaphore, #tpu.memory_space<semaphore_mem>> -> memref<1x!tpu.dma_semaphore, #tpu.memory_space<semaphore_mem>>
      %dma_wait3A_300 = tpu.memref_squeeze %dma_wait3A_299 : memref<1x!tpu.dma_semaphore, #tpu.memory_space<semaphore_mem>> -> memref<!tpu.dma_semaphore, #tpu.memory_space<semaphore_mem>>
      %dma_wait3A_301 = arith.constant 0 : i32
      %dma_wait3A_302 = tpu.memref_slice %arg6[%arg0, %add3A_246, %dma_wait3A_301] : memref<2x10240x128xf32, #tpu.memory_space<hbm>> -> memref<1x128x128xf32, #tpu.memory_space<hbm>>
      %dma_wait3A_303 = tpu.memref_squeeze %dma_wait3A_302 : memref<1x128x128xf32, #tpu.memory_space<hbm>> -> memref<128x128xf32, #tpu.memory_space<hbm>>
      %dma_wait3A_304 = arith.constant 0 : i32
      %dma_wait3A_305 = tpu.memref_slice %arg11[%add3A_246, %dma_wait3A_304] : memref<10112x128xf32, #tpu.memory_space<vmem_shared>> -> memref<128x128xf32, #tpu.memory_space<vmem_shared>>
      tpu.wait_dma2 semaphore(%dma_wait3A_300 : memref<!tpu.dma_semaphore, #tpu.memory_space<semaphore_mem>>) src(%dma_wait3A_305 : memref<128x128xf32, #tpu.memory_space<vmem_shared>>) dst(%dma_wait3A_303 : memref<128x128xf32, #tpu.memory_space<hbm>>)
    } else {
    }
    %add3A_254 = arith.constant 128 : i32
    %add3A_255 = arith.addi %mul3A_9, %add3A_254 : i32
    %add3A_256 = arith.constant 128 : i32
    %add3A_257 = arith.addi %add3A_255, %add3A_256 : i32
    %le3A_258 = arith.constant 10112 : i32
    %le3A_259 = arith.cmpi sle, %add3A_257, %le3A_258 : i32
    %convert_element_type3A_260 = arith.extui %le3A_259 : i1 to i32
    %cond3A_261 = arith.constant 0 : i32
    %cond3A_262 = arith.cmpi ne, %convert_element_type3A_260, %cond3A_261 : i32
    scf.if %cond3A_262 {
      %dma_start3A_290 = arith.constant 1 : i32
      %dma_start3A_291 = tpu.memref_slice %arg13[%dma_start3A_290] : memref<2x!tpu.dma_semaphore, #tpu.memory_space<semaphore_mem>> -> memref<1x!tpu.dma_semaphore, #tpu.memory_space<semaphore_mem>>
      %dma_start3A_292 = tpu.memref_squeeze %dma_start3A_291 : memref<1x!tpu.dma_semaphore, #tpu.memory_space<semaphore_mem>> -> memref<!tpu.dma_semaphore, #tpu.memory_space<semaphore_mem>>
      %dma_start3A_293 = arith.constant 0 : i32
      %dma_start3A_294 = tpu.memref_slice %arg6[%arg0, %add3A_255, %dma_start3A_293] : memref<2x10240x128xf32, #tpu.memory_space<hbm>> -> memref<1x128x128xf32, #tpu.memory_space<hbm>>
      %dma_start3A_295 = tpu.memref_squeeze %dma_start3A_294 : memref<1x128x128xf32, #tpu.memory_space<hbm>> -> memref<128x128xf32, #tpu.memory_space<hbm>>
      %dma_start3A_296 = arith.constant 0 : i32
      %dma_start3A_297 = tpu.memref_slice %arg11[%add3A_255, %dma_start3A_296] : memref<10112x128xf32, #tpu.memory_space<vmem_shared>> -> memref<128x128xf32, #tpu.memory_space<vmem_shared>>
      tpu.enqueue_dma source(%dma_start3A_297 : memref<128x128xf32, #tpu.memory_space<vmem_shared>>) target(%dma_start3A_295 : memref<128x128xf32, #tpu.memory_space<hbm>>) target_semaphore(%dma_start3A_292 : memref<!tpu.dma_semaphore, #tpu.memory_space<semaphore_mem>>)
      %dma_wait3A_298 = arith.constant 1 : i32
      %dma_wait3A_299 = tpu.memref_slice %arg13[%dma_wait3A_298] : memref<2x!tpu.dma_semaphore, #tpu.memory_space<semaphore_mem>> -> memref<1x!tpu.dma_semaphore, #tpu.memory_space<semaphore_mem>>
      %dma_wait3A_300 = tpu.memref_squeeze %dma_wait3A_299 : memref<1x!tpu.dma_semaphore, #tpu.memory_space<semaphore_mem>> -> memref<!tpu.dma_semaphore, #tpu.memory_space<semaphore_mem>>
      %dma_wait3A_301 = arith.constant 0 : i32
      %dma_wait3A_302 = tpu.memref_slice %arg6[%arg0, %add3A_255, %dma_wait3A_301] : memref<2x10240x128xf32, #tpu.memory_space<hbm>> -> memref<1x128x128xf32, #tpu.memory_space<hbm>>
      %dma_wait3A_303 = tpu.memref_squeeze %dma_wait3A_302 : memref<1x128x128xf32, #tpu.memory_space<hbm>> -> memref<128x128xf32, #tpu.memory_space<hbm>>
      %dma_wait3A_304 = arith.constant 0 : i32
      %dma_wait3A_305 = tpu.memref_slice %arg11[%add3A_255, %dma_wait3A_304] : memref<10112x128xf32, #tpu.memory_space<vmem_shared>> -> memref<128x128xf32, #tpu.memory_space<vmem_shared>>
      tpu.wait_dma2 semaphore(%dma_wait3A_300 : memref<!tpu.dma_semaphore, #tpu.memory_space<semaphore_mem>>) src(%dma_wait3A_305 : memref<128x128xf32, #tpu.memory_space<vmem_shared>>) dst(%dma_wait3A_303 : memref<128x128xf32, #tpu.memory_space<hbm>>)
    } else {
    }
    %add3A_263 = arith.constant 256 : i32
    %add3A_264 = arith.addi %mul3A_9, %add3A_263 : i32
    %add3A_265 = arith.constant 128 : i32
    %add3A_266 = arith.addi %add3A_264, %add3A_265 : i32
    %le3A_267 = arith.constant 10112 : i32
    %le3A_268 = arith.cmpi sle, %add3A_266, %le3A_267 : i32
    %convert_element_type3A_269 = arith.extui %le3A_268 : i1 to i32
    %cond3A_270 = arith.constant 0 : i32
    %cond3A_271 = arith.cmpi ne, %convert_element_type3A_269, %cond3A_270 : i32
    scf.if %cond3A_271 {
      %dma_start3A_290 = arith.constant 1 : i32
      %dma_start3A_291 = tpu.memref_slice %arg13[%dma_start3A_290] : memref<2x!tpu.dma_semaphore, #tpu.memory_space<semaphore_mem>> -> memref<1x!tpu.dma_semaphore, #tpu.memory_space<semaphore_mem>>
      %dma_start3A_292 = tpu.memref_squeeze %dma_start3A_291 : memref<1x!tpu.dma_semaphore, #tpu.memory_space<semaphore_mem>> -> memref<!tpu.dma_semaphore, #tpu.memory_space<semaphore_mem>>
      %dma_start3A_293 = arith.constant 0 : i32
      %dma_start3A_294 = tpu.memref_slice %arg6[%arg0, %add3A_264, %dma_start3A_293] : memref<2x10240x128xf32, #tpu.memory_space<hbm>> -> memref<1x128x128xf32, #tpu.memory_space<hbm>>
      %dma_start3A_295 = tpu.memref_squeeze %dma_start3A_294 : memref<1x128x128xf32, #tpu.memory_space<hbm>> -> memref<128x128xf32, #tpu.memory_space<hbm>>
      %dma_start3A_296 = arith.constant 0 : i32
      %dma_start3A_297 = tpu.memref_slice %arg11[%add3A_264, %dma_start3A_296] : memref<10112x128xf32, #tpu.memory_space<vmem_shared>> -> memref<128x128xf32, #tpu.memory_space<vmem_shared>>
      tpu.enqueue_dma source(%dma_start3A_297 : memref<128x128xf32, #tpu.memory_space<vmem_shared>>) target(%dma_start3A_295 : memref<128x128xf32, #tpu.memory_space<hbm>>) target_semaphore(%dma_start3A_292 : memref<!tpu.dma_semaphore, #tpu.memory_space<semaphore_mem>>)
      %dma_wait3A_298 = arith.constant 1 : i32
      %dma_wait3A_299 = tpu.memref_slice %arg13[%dma_wait3A_298] : memref<2x!tpu.dma_semaphore, #tpu.memory_space<semaphore_mem>> -> memref<1x!tpu.dma_semaphore, #tpu.memory_space<semaphore_mem>>
      %dma_wait3A_300 = tpu.memref_squeeze %dma_wait3A_299 : memref<1x!tpu.dma_semaphore, #tpu.memory_space<semaphore_mem>> -> memref<!tpu.dma_semaphore, #tpu.memory_space<semaphore_mem>>
      %dma_wait3A_301 = arith.constant 0 : i32
      %dma_wait3A_302 = tpu.memref_slice %arg6[%arg0, %add3A_264, %dma_wait3A_301] : memref<2x10240x128xf32, #tpu.memory_space<hbm>> -> memref<1x128x128xf32, #tpu.memory_space<hbm>>
      %dma_wait3A_303 = tpu.memref_squeeze %dma_wait3A_302 : memref<1x128x128xf32, #tpu.memory_space<hbm>> -> memref<128x128xf32, #tpu.memory_space<hbm>>
      %dma_wait3A_304 = arith.constant 0 : i32
      %dma_wait3A_305 = tpu.memref_slice %arg11[%add3A_264, %dma_wait3A_304] : memref<10112x128xf32, #tpu.memory_space<vmem_shared>> -> memref<128x128xf32, #tpu.memory_space<vmem_shared>>
      tpu.wait_dma2 semaphore(%dma_wait3A_300 : memref<!tpu.dma_semaphore, #tpu.memory_space<semaphore_mem>>) src(%dma_wait3A_305 : memref<128x128xf32, #tpu.memory_space<vmem_shared>>) dst(%dma_wait3A_303 : memref<128x128xf32, #tpu.memory_space<hbm>>)
    } else {
    }
    %add3A_272 = arith.constant 384 : i32
    %add3A_273 = arith.addi %mul3A_9, %add3A_272 : i32
    %add3A_274 = arith.constant 128 : i32
    %add3A_275 = arith.addi %add3A_273, %add3A_274 : i32
    %le3A_276 = arith.constant 10112 : i32
    %le3A_277 = arith.cmpi sle, %add3A_275, %le3A_276 : i32
    %convert_element_type3A_278 = arith.extui %le3A_277 : i1 to i32
    %cond3A_279 = arith.constant 0 : i32
    %cond3A_280 = arith.cmpi ne, %convert_element_type3A_278, %cond3A_279 : i32
    scf.if %cond3A_280 {
      %dma_start3A_290 = arith.constant 1 : i32
      %dma_start3A_291 = tpu.memref_slice %arg13[%dma_start3A_290] : memref<2x!tpu.dma_semaphore, #tpu.memory_space<semaphore_mem>> -> memref<1x!tpu.dma_semaphore, #tpu.memory_space<semaphore_mem>>
      %dma_start3A_292 = tpu.memref_squeeze %dma_start3A_291 : memref<1x!tpu.dma_semaphore, #tpu.memory_space<semaphore_mem>> -> memref<!tpu.dma_semaphore, #tpu.memory_space<semaphore_mem>>
      %dma_start3A_293 = arith.constant 0 : i32
      %dma_start3A_294 = tpu.memref_slice %arg6[%arg0, %add3A_273, %dma_start3A_293] : memref<2x10240x128xf32, #tpu.memory_space<hbm>> -> memref<1x128x128xf32, #tpu.memory_space<hbm>>
      %dma_start3A_295 = tpu.memref_squeeze %dma_start3A_294 : memref<1x128x128xf32, #tpu.memory_space<hbm>> -> memref<128x128xf32, #tpu.memory_space<hbm>>
      %dma_start3A_296 = arith.constant 0 : i32
      %dma_start3A_297 = tpu.memref_slice %arg11[%add3A_273, %dma_start3A_296] : memref<10112x128xf32, #tpu.memory_space<vmem_shared>> -> memref<128x128xf32, #tpu.memory_space<vmem_shared>>
      tpu.enqueue_dma source(%dma_start3A_297 : memref<128x128xf32, #tpu.memory_space<vmem_shared>>) target(%dma_start3A_295 : memref<128x128xf32, #tpu.memory_space<hbm>>) target_semaphore(%dma_start3A_292 : memref<!tpu.dma_semaphore, #tpu.memory_space<semaphore_mem>>)
      %dma_wait3A_298 = arith.constant 1 : i32
      %dma_wait3A_299 = tpu.memref_slice %arg13[%dma_wait3A_298] : memref<2x!tpu.dma_semaphore, #tpu.memory_space<semaphore_mem>> -> memref<1x!tpu.dma_semaphore, #tpu.memory_space<semaphore_mem>>
      %dma_wait3A_300 = tpu.memref_squeeze %dma_wait3A_299 : memref<1x!tpu.dma_semaphore, #tpu.memory_space<semaphore_mem>> -> memref<!tpu.dma_semaphore, #tpu.memory_space<semaphore_mem>>
      %dma_wait3A_301 = arith.constant 0 : i32
      %dma_wait3A_302 = tpu.memref_slice %arg6[%arg0, %add3A_273, %dma_wait3A_301] : memref<2x10240x128xf32, #tpu.memory_space<hbm>> -> memref<1x128x128xf32, #tpu.memory_space<hbm>>
      %dma_wait3A_303 = tpu.memref_squeeze %dma_wait3A_302 : memref<1x128x128xf32, #tpu.memory_space<hbm>> -> memref<128x128xf32, #tpu.memory_space<hbm>>
      %dma_wait3A_304 = arith.constant 0 : i32
      %dma_wait3A_305 = tpu.memref_slice %arg11[%add3A_273, %dma_wait3A_304] : memref<10112x128xf32, #tpu.memory_space<vmem_shared>> -> memref<128x128xf32, #tpu.memory_space<vmem_shared>>
      tpu.wait_dma2 semaphore(%dma_wait3A_300 : memref<!tpu.dma_semaphore, #tpu.memory_space<semaphore_mem>>) src(%dma_wait3A_305 : memref<128x128xf32, #tpu.memory_space<vmem_shared>>) dst(%dma_wait3A_303 : memref<128x128xf32, #tpu.memory_space<hbm>>)
    } else {
    }
    %add3A_281 = arith.constant 512 : i32
    %add3A_282 = arith.addi %mul3A_9, %add3A_281 : i32
    %add3A_283 = arith.constant 128 : i32
    %add3A_284 = arith.addi %add3A_282, %add3A_283 : i32
    %le3A_285 = arith.constant 10112 : i32
    %le3A_286 = arith.cmpi sle, %add3A_284, %le3A_285 : i32
    %convert_element_type3A_287 = arith.extui %le3A_286 : i1 to i32
    %cond3A_288 = arith.constant 0 : i32
    %cond3A_289 = arith.cmpi ne, %convert_element_type3A_287, %cond3A_288 : i32
    scf.if %cond3A_289 {
      %dma_start3A_290 = arith.constant 1 : i32
      %dma_start3A_291 = tpu.memref_slice %arg13[%dma_start3A_290] : memref<2x!tpu.dma_semaphore, #tpu.memory_space<semaphore_mem>> -> memref<1x!tpu.dma_semaphore, #tpu.memory_space<semaphore_mem>>
      %dma_start3A_292 = tpu.memref_squeeze %dma_start3A_291 : memref<1x!tpu.dma_semaphore, #tpu.memory_space<semaphore_mem>> -> memref<!tpu.dma_semaphore, #tpu.memory_space<semaphore_mem>>
      %dma_start3A_293 = arith.constant 0 : i32
      %dma_start3A_294 = tpu.memref_slice %arg6[%arg0, %add3A_282, %dma_start3A_293] : memref<2x10240x128xf32, #tpu.memory_space<hbm>> -> memref<1x128x128xf32, #tpu.memory_space<hbm>>
      %dma_start3A_295 = tpu.memref_squeeze %dma_start3A_294 : memref<1x128x128xf32, #tpu.memory_space<hbm>> -> memref<128x128xf32, #tpu.memory_space<hbm>>
      %dma_start3A_296 = arith.constant 0 : i32
      %dma_start3A_297 = tpu.memref_slice %arg11[%add3A_282, %dma_start3A_296] : memref<10112x128xf32, #tpu.memory_space<vmem_shared>> -> memref<128x128xf32, #tpu.memory_space<vmem_shared>>
      tpu.enqueue_dma source(%dma_start3A_297 : memref<128x128xf32, #tpu.memory_space<vmem_shared>>) target(%dma_start3A_295 : memref<128x128xf32, #tpu.memory_space<hbm>>) target_semaphore(%dma_start3A_292 : memref<!tpu.dma_semaphore, #tpu.memory_space<semaphore_mem>>)
      %dma_wait3A_298 = arith.constant 1 : i32
      %dma_wait3A_299 = tpu.memref_slice %arg13[%dma_wait3A_298] : memref<2x!tpu.dma_semaphore, #tpu.memory_space<semaphore_mem>> -> memref<1x!tpu.dma_semaphore, #tpu.memory_space<semaphore_mem>>
      %dma_wait3A_300 = tpu.memref_squeeze %dma_wait3A_299 : memref<1x!tpu.dma_semaphore, #tpu.memory_space<semaphore_mem>> -> memref<!tpu.dma_semaphore, #tpu.memory_space<semaphore_mem>>
      %dma_wait3A_301 = arith.constant 0 : i32
      %dma_wait3A_302 = tpu.memref_slice %arg6[%arg0, %add3A_282, %dma_wait3A_301] : memref<2x10240x128xf32, #tpu.memory_space<hbm>> -> memref<1x128x128xf32, #tpu.memory_space<hbm>>
      %dma_wait3A_303 = tpu.memref_squeeze %dma_wait3A_302 : memref<1x128x128xf32, #tpu.memory_space<hbm>> -> memref<128x128xf32, #tpu.memory_space<hbm>>
      %dma_wait3A_304 = arith.constant 0 : i32
      %dma_wait3A_305 = tpu.memref_slice %arg11[%add3A_282, %dma_wait3A_304] : memref<10112x128xf32, #tpu.memory_space<vmem_shared>> -> memref<128x128xf32, #tpu.memory_space<vmem_shared>>
      tpu.wait_dma2 semaphore(%dma_wait3A_300 : memref<!tpu.dma_semaphore, #tpu.memory_space<semaphore_mem>>) src(%dma_wait3A_305 : memref<128x128xf32, #tpu.memory_space<vmem_shared>>) dst(%dma_wait3A_303 : memref<128x128xf32, #tpu.memory_space<hbm>>)
    } else {
    }
    return
  }
}

module attributes {stable_mosaic.version = 14 : i64} {
  func.func @_tc_body(%arg0: i32, %arg1: memref<2x2048x128xf32, #tpu.memory_space<vmem>>, %arg2: memref<128x128xf32, #tpu.memory_space<vmem>>, %arg3: memref<2048x128xf32, #tpu.memory_space<vmem>>) attributes {dimension_semantics = [#tpu.dimension_semantics<arbitrary>], iteration_bounds = array<i64: 5>, scalar_prefetch = 0 : i64, scratch_operands = 0 : i64, tpu.core_type = #tpu.core_type<tc>, window_params = [{transform_indices = @transform_0, window_bounds = array<i64: 2, 2048, 128>}, {pipeline_mode = #tpu.pipeline_mode<synchronous>, transform_indices = @transform_1, window_bounds = array<i64: 128, 128>}, {transform_indices = @transform_2, window_bounds = array<i64: 2048, 128>}]} {
    %get3A = arith.constant 0 : index
    %get3A_0 = arith.constant 0 : index
    %get3A_1 = arith.constant 0 : index
    %get3A_2 = vector.load %arg1[%get3A, %get3A_0, %get3A_1] : memref<2x2048x128xf32, #tpu.memory_space<vmem>>, vector<1x2048x128xf32>
    %get3A_3 = vector.shape_cast %get3A_2 : vector<1x2048x128xf32> to vector<2048x128xf32>
    %get3A_4 = arith.constant 1 : index
    %get3A_5 = arith.constant 0 : index
    %get3A_6 = arith.constant 0 : index
    %get3A_7 = vector.load %arg1[%get3A_4, %get3A_5, %get3A_6] : memref<2x2048x128xf32, #tpu.memory_space<vmem>>, vector<1x2048x128xf32>
    %get3A_8 = vector.shape_cast %get3A_7 : vector<1x2048x128xf32> to vector<2048x128xf32>
    %add3A = arith.addf %get3A_3, %get3A_8 : vector<2048x128xf32>
    %get3A_9 = arith.constant 0 : index
    %get3A_10 = arith.constant 0 : index
    %get3A_11 = vector.load %arg2[%get3A_9, %get3A_10] : memref<128x128xf32, #tpu.memory_space<vmem>>, vector<128x128xf32>
    %dot_general3A = arith.constant dense<0.000000e+00> : vector<2048x128xf32>
    %dot_general3A_12 = tpu.matmul %add3A, %get3A_11, %dot_general3A {dimension_numbers = #tpu.dot_dimension_numbers<[1], [0], [0], [1], [0, 0, 1, 1], [], []>, transpose_lhs_hint = false} : vector<2048x128xf32>, vector<128x128xf32>, vector<2048x128xf32> -> vector<2048x128xf32>
    %max3A = arith.constant 0.000000e+00 : f32
    %max3A_13 = vector.broadcast %max3A : f32 to vector<2048x128xf32>
    %max3A_14 = arith.maximumf %dot_general3A_12, %max3A_13 : vector<2048x128xf32>
    %swap3A = arith.constant 0 : index
    %swap3A_15 = arith.constant 0 : index
    %swap3A_16 = vector.load %arg3[%swap3A, %swap3A_15] : memref<2048x128xf32, #tpu.memory_space<vmem>>, vector<2048x128xf32>
    tpu.vector_store %arg3[%swap3A, %swap3A_15], %max3A_14 {strides = array<i32>} : memref<2048x128xf32, #tpu.memory_space<vmem>>, vector<2048x128xf32>,
    return
  }
  func.func @transform_0(%arg0: i32) -> (i32, i32, i32) {
    %c0_i32 = arith.constant 0 : i32
    %c0_i32_0 = arith.constant 0 : i32
    %c0_i32_1 = arith.constant 0 : i32
    return %c0_i32, %arg0, %c0_i32_0 : i32, i32, i32
  }
  func.func @transform_1(%arg0: i32) -> (i32, i32) {
    %c0_i32 = arith.constant 0 : i32
    %c0_i32_0 = arith.constant 0 : i32
    %c0_i32_1 = arith.constant 0 : i32
    return %c0_i32, %c0_i32_0 : i32, i32
  }
  func.func @transform_2(%arg0: i32) -> (i32, i32) {
    %c0_i32 = arith.constant 0 : i32
    %c0_i32_0 = arith.constant 0 : i32
    return %arg0, %c0_i32 : i32, i32
  }
}

</mosaic_0001>

<sc_bundles>
// kernel: kernel.4.cloned.1.call-start
scs
__scs_entry_jumppad:
0x0: {  	(pc) =	sbr.rel $0x88, $3  }
0x1: {  	(tag) =	ssettag $0x0;
	lr =	simm.s32 $0x1  }
0x2: {  	[smem:$0x3F9D] =	sst lr;
	_ =	strace $0xD0000000  }
0x3: {  	_ = 	snop  }
0x4: {  	_ = 	snop  }
0x5: {  	_ = 	snop  }
0x6: {  	_ = 	snop  }
0x7: {  	_ = 	snop  }
__scs_overlays_trampoline_lowered:
0x8: {  	[smem:$0x3FAC] =	sst s0  }
0x9: {  	[smem:$0x3FAD] =	sst s1  }
0xa: {  	[smem:$0x3FAE] =	sst s2  }
0xb: {  	[smem:$0x3FAF] =	sst s3  }
0xc: {  	[smem:$0x3FB0] =	sst s4  }
0xd: {  	[smem:$0x3FB1] =	sst s5  }
0xe: {  	[smem:$0x3FB2] =	sst s6  }
0xf: {  	[smem:$0x3FB3] =	sst s7  }
0x10: {  	[smem:$0x3FB4] =	sst s8  }
0x11: {  	[smem:$0x3FB5] =	sst s9;
	s0 =	simm.s32 @!p0 $0x0  }
0x12: {  	s1 =	sld [smem:$0x3F9B];
	s0 =	simm.s32 @p0 $0x1  }
0x13: {  	[smem:$0x3FB6] =	sst s0;
	s0 =	simm.s32 @!p1 $0x0  }
0x14: {  	s2 =	sld [smem:$0x3F9A];
	s0 =	simm.s32 @p1 $0x1  }
0x15: {  	[smem:$0x3FB7] =	sst s0;
	s0 =	simm.s32 @!p2 $0x0  }
0x16: {  	s3 =	sld [smem:$0x3FDB];
	s0 =	simm.s32 @p2 $0x1  }
0x17: {  	s4 =	simm.s32 $0x1BF5;
	[smem:$0x3FB9] =	sst s0  }
0x18: {  	s0 =	sld [smem:$0x3F9C];
	_ =	swait.ge [sflag:s4], $0x0  }
0x19: {  	s7 =	sld [smem:$0x3F9D]  }
0x1a: {  	s8 =	sadd.s32 $0xFFFFE003, lr  }
0x1b: {  	s9 =	sadd.s32 $0xFFFFFEF7, lr;
	s5 =	simm.s32 $0xFFFFFFFF;
	p2 =	slt.u32 s8, $0xFFFFF086  }
0x1c: {  	p1 =	slt.u32 s9, $0xF7A;
	s5 =	simm.s32 @!p2 $0x0  }
0x1d: {  	s5 =	simm.s32 @p1 $0x1;
	p0 =	seq.s32 s7, s2  }
0x1e: {  	s7 =	smul.u32 @!p0 $0xF7A, s2;
	p2 =	seq.s32 @!p0 s5, $0x0  }
0x1f: {  	s9 =	smul.u32 $0xF7A, s1;
	s8 =	simm.s32 @!p0 $0x1BF5;
	p2 =	por !p2, p0  }
0x20: {  	[sflag:s8] =	ssyncset.s32 @!p0 $0xFFFFF086;
	s6 =	sadd.s32 @!p0 s3, s7;
	s7 =	simm.s32 @!p0 $0x108  }
0x21: {  	s3 =	sadd.s32 s3, s9;
	s6 =	sadd.s32 @!p0 $0x88, s6;
	s7 =	simm.s32 @p2 $0x1082  }
0x22: {  	[simem:s7], [sflag:s8] =	dma.local @!p0 [hbm:s6], $0xF7A  }
0x23: {  	s9 =	sor.u32 $0xD0000000, s2;
	s6 =	simm.s32 $0x108;
	_ =	swait.ge @!p0 [sflag:s8], $0x0  }
0x24: {  	s3 =	sadd.s32 $0x88, s3;
	s6 =	simm.s32 @!p1 $0x1082;
	[sflag:s4] =	ssyncset.s32 $0xFFFFF086  }
0x25: {  	[simem:s6], [sflag:s4] =	dma.local [hbm:s3], $0xF7A  }
0x26: {  	[smem:$0x3F9D] =	sst s1;
	(tag) =	ssettag s2;
	_ =	strace s9  }
0x27: {  	s1 =	sld [smem:$0x3FAD]  }
0x28: {  	s2 =	sld [smem:$0x3FAE]  }
0x29: {  	s4 =	sld [smem:$0x3FB0]  }
0x2a: {  	p0 =	seq.s32 s5, $0x0;
	s5 =	sld [smem:$0x3FB1]  }
0x2b: {  	s6 =	sld [smem:$0x3FB2]  }
0x2c: {  	s7 =	sld [smem:$0x3FB3]  }
0x2d: {  	s3 =	simm.s32 $0x108;
	s8 =	sld [smem:$0x3FB4]  }
0x2e: {  	s3 =	simm.s32 @!p0 $0x1082;
	s9 =	sld [smem:$0x3FB5]  }
0x2f: {  	lr =	sadd.s32 s0, s3;
	s0 =	sld [smem:$0x3FAC]  }
0x30: {  	s3 =	sld [smem:$0x3FAF]  }
0x31: {  	[smem:$0x3FB8] =	sst s10  }
0x32: {  	s10 =	sld [smem:$0x3FB6];
	_ =	sdelay $0x3  }
0x33: {  	p0 =	seq.s32 s10, $0x1;
	s10 =	sld [smem:$0x3FB8];
	_ =	sdelay $0x3  }
0x34: {  	[smem:$0x3FB8] =	sst s10  }
0x35: {  	s10 =	sld [smem:$0x3FB7];
	_ =	sdelay $0x3  }
0x36: {  	p1 =	seq.s32 s10, $0x1;
	s10 =	sld [smem:$0x3FB8];
	_ =	sdelay $0x3  }
0x37: {  	[smem:$0x3FB8] =	sst s10  }
0x38: {  	s10 =	sld [smem:$0x3FB9]  }
0x39: {  	_ = 	snop;
	(pc) =	sbr.ind lr, $3  }
0x3a: {  	_ = 	snop  }
0x3b: {  	_ = 	snop  }
0x3c: {  	p2 =	seq.s32 s10, $0x1;
	s10 =	sld [smem:$0x3FB8]  }
0x3d: {  	_ =	shalt  }
0x3e: {  	_ =	shalt  }
0x3f: {  	_ =	shalt  }
0x40: {  	_ =	shalt  }
0x41: {  	_ =	shalt  }
0x42: {  	_ =	shalt  }
0x43: {  	_ =	shalt  }
0x44: {  	_ =	shalt  }
0x45: {  	_ =	shalt  }
0x46: {  	_ =	shalt  }
0x47: {  	_ =	shalt  }
0x48: {  	_ =	shalt  }
0x49: {  	_ =	shalt  }
0x4a: {  	_ =	shalt  }
0x4b: {  	_ =	shalt  }
0x4c: {  	_ =	shalt  }
0x4d: {  	_ =	shalt  }
0x4e: {  	_ =	shalt  }
0x4f: {  	_ =	shalt  }
0x50: {  	_ =	shalt  }
0x51: {  	_ =	shalt  }
0x52: {  	_ =	shalt  }
0x53: {  	_ =	shalt  }
0x54: {  	_ =	shalt  }
0x55: {  	_ =	shalt  }
0x56: {  	_ =	shalt  }
0x57: {  	_ =	shalt  }
0x58: {  	_ =	shalt  }
0x59: {  	_ =	shalt  }
0x5a: {  	_ =	shalt  }
0x5b: {  	_ =	shalt  }
0x5c: {  	_ =	shalt  }
0x5d: {  	_ =	shalt  }
0x5e: {  	_ =	shalt  }
0x5f: {  	_ =	shalt  }
0x60: {  	_ =	shalt  }
0x61: {  	_ =	shalt  }
0x62: {  	_ =	shalt  }
0x63: {  	_ =	shalt  }
0x64: {  	_ =	shalt  }
0x65: {  	_ =	shalt  }
0x66: {  	_ =	shalt  }
0x67: {  	_ =	shalt  }
0x68: {  	_ =	shalt  }
0x69: {  	_ =	shalt  }
0x6a: {  	_ =	shalt  }
0x6b: {  	_ =	shalt  }
0x6c: {  	_ =	shalt  }
0x6d: {  	_ =	shalt  }
0x6e: {  	_ =	shalt  }
0x6f: {  	_ =	shalt  }
0x70: {  	_ =	shalt  }
0x71: {  	_ =	shalt  }
0x72: {  	_ =	shalt  }
0x73: {  	_ =	shalt  }
0x74: {  	_ =	shalt  }
0x75: {  	_ =	shalt  }
0x76: {  	_ =	shalt  }
0x77: {  	_ =	shalt  }
0x78: {  	_ =	shalt  }
0x79: {  	_ =	shalt  }
0x7a: {  	_ =	shalt  }
0x7b: {  	_ =	shalt  }
0x7c: {  	_ =	shalt  }
0x7d: {  	_ =	shalt  }
0x7e: {  	_ =	shalt  }
0x7f: {  	_ =	shalt  }
0x80: {  	_ =	shalt  }
0x81: {  	_ =	shalt  }
0x82: {  	_ =	shalt  }
0x83: {  	_ =	shalt  }
0x84: {  	_ =	shalt  }
0x85: {  	_ =	shalt  }
0x86: {  	_ =	shalt  }
0x87: {  	_ =	shalt  }
.Lfunc_end0:
.L_simem_size_0:
called_computation_lowered:
.L_overlay_start_0:
0x88: {  	s2 =	sld [smem:$0x3FD9]  }
0x89: {  	s3 =	sld [smem:$0x3FFE];
	_ =	sdelay $0x1  }
0x8a: {  	s1 =	srdreg.scid  }
0x8b: {  	s0 =	sand.u32 $0x1, s1  }
0x8c: {  	s17 =	sshll.u32 s0, $0xA;
	s2 =	sadd.s32 s3, s2  }
0x8d: {  	s2 =	sadd.s32 s2, s17  }
0x8e: {  	[smem:$0x3FC4] =	sst s2  }
0x8f: {  	_ = 	snop  }
0x90: {  	s2 =	sld [smem:$0x3FC9]  }
0x91: {  	s18 =	sld [smem:$0x3FD0];
	(tm) =	ssettm $0x1  }
0x92: {  	s4 =	sld [smem:$0x3FFB];
	_ =	sdelay $0x3  }
0x93: {  	_ =	strace s4  }
0x94: {  	s4 =	sld [smem:$0x3FFC];
	_ =	sdelay $0x3  }
0x95: {  	_ =	strace s4  }
0x96: {  	s4 =	sld [smem:$0x3FFD];
	_ =	sdelay $0x3  }
0x97: {  	_ =	strace s4  }
0x98: {  	_ =	strace $0x8FFFFFFF  }
0x99: {  	s19 =	sld [smem:$0x3FDB];
	_ =	sdelay $0x1  }
0x9a: {  	s5 =	simm.s32 $_scs_section_size  }
0x9b: {  	s6 =	simm.s32 $_size__tile_overlayer_lowered;
	s7 =	simm.s32 $_tile_overlayer_lowered  }
0x9c: {  	s22 =	simm.s32 $0x1BFF;
	s21 =	sshll.u32 s7, $0x1;
	s4 =	sadd.s32 s5, s19  }
0x9d: {  	s8 =	simm.s32 $0x0;
	s20 =	sshll.u32 s6, $0x1;
	s6 =	sadd.s32 s21, s4  }
0x9e: {  	[timem:s8], [sflag:s22] =	dma.local [hbm:s6], s20  }
0x9f: {  	_ =	swait.ge [sflag:s22], s20  }
0xa0: {  	s5 =	ssub.s32 $0x0, s20;
	[sflag:s22] =	ssyncset.done $0x0  }
0xa1: {  	[sflag:s22] =	ssyncadd.s32 s5;
	_ =	sdelay $0x1  }
0xa2: {  	s23 =	simm.s32 $0x1B8B  }
0xa3: {  	_ =	swait.ge [sflag:s23], $0x1  }
0xa4: {  	[sflag:s23] =	ssyncset.done $0x0  }
0xa5: {  	s25 =	simm.s32 $0x1B8E;
	s24 =	sld [smem:$0x3FFE];
	[sflag:s23] =	ssyncadd.s32 $0xFFFFFFFF  }
0xa6: {  	s26 =	simm.s32 $execute0_lowered;
	[smem:$0x3FD2] =	sst s25  }
0xa7: {  	s6 =	sshll.u32 s26, $0x1;
	_ =	strace $0x80000046;
	[dreg:$0x1] =	wrdreg $0xFFFFFFFF  }
0xa8: {  	s28 =	simm.s32 $_size_execute0_lowered;
	s4 =	sadd.s32 s4, s6;
	[dreg:$0x0] =	wrdreg $0x0  }
0xa9: {  	s6 =	sshll.u32 s28, $0x1;
	[dreg:$0x2] =	wrdreg s4  }
0xaa: {  	[dreg:$0x3] =	wrdreg s6  }
0xab: {  	[dreg:$0x4] =	wrdreg $0xC0  }
0xac: {  	_ =	task [dreg:s8], $0x5FFFF  }
0xad: {  	[dreg:$0x1] =	wrdreg $0xFFFFFFFF  }
0xae: {  	[dreg:$0x0] =	wrdreg $0x60  }
0xaf: {  	[dreg:$0x2] =	wrdreg s2  }
0xb0: {  	[dreg:$0x3] =	wrdreg s24  }
0xb1: {  	[dreg:$0x4] =	wrdreg s18  }
0xb2: {  	[dreg:$0x5] =	wrdreg $0x83000  }
0xb3: {  	[dreg:$0x6] =	wrdreg $0x9  }
0xb4: {  	_ =	task.clear_ibuf [dreg:s8], $0x7FFFF;
	_ =	strace $0x90000046  }
0xb5: {  	s29 =	simm.s32 $0x9;
	_ =	strace $0x80000048  }
0xb6: {  	_ =	swait.ge [sflag:s29], $0x1  }
0xb7: {  	[sflag:s29] =	ssyncadd.s32 $0xFFFFFFFF  }
0xb8: {  	_ =	strace $0x90000048  }
0xb9: {  	_ =	sfence  }
0xba: {  	s30 =	sld [smem:$0x0];
	_ =	sdelay $0x2  }
0xbb: {  	s31 =	sshll.u32 s1, $0xD;
	s1 =	sshrl.u32 s1, $0x2  }
0xbc: {  	s3 =	sand.u32 $0x4000, s31;
	s1 =	sadd.s32 s1, s30  }
0xbd: {  	s0 =	sor.u32 s3, s0;
	s1 =	sshll.u32 s1, $0x11  }
0xbe: {  	s0 =	sor.u32 s1, s0  }
0xbf: {  	s0 =	sadd.s32 $0x8F2B, s0  }
0xc0: {  	[sflag:s0] =	ssyncadd.remote.s32 $0x1  }
0xc1: {  	_ =	sfence.sel $0xFFFF  }
0xc2: {  	[dreg:$0x0] =	wrdreg $0xFFFFFFFF;
	(pc) =	sbr.abs _section_cstart, $3  }
0xc3: {  	[dreg:$0x1] =	wrdreg $0xFFFFFFFF  }
0xc4: {  	_ =	task.clear_ibuf [dreg:s8], $0x2FFFF;
	_ =	strace $0x9FFFFFFF  }
0xc5: {  	(tm) =	ssettm $0x7FFFFFFF  }
tec
execute0_lowered:
.L_overlay_start_1:
0x0: {  	(tag) =	ssettag $0x1  }
0x1: {  	s1 =	rddreg [dreg:$0x0]  }
0x2: {  	s0 =	rddreg [dreg:$0x1]  }
0x3: {  	s3 =	rddreg [dreg:$0x2]  }
0x4: {  	s4 =	rddreg [dreg:$0x3];
	s2 =	simm.s32 $0x0;
	s5 =	srdreg.scid  }
0x5: {  	s21 =	stileid.u32;
	s28 =	simm.s32 $0x20;
	s30 =	simm.s32 $0x4  }
0x6: {  	s31 =	simm.s32 $0x0;
	[smem:$0x7FF] =	sst s2;
	s6 =	smul.u32 $0x50000, s21  }
0x7: {  	s9 =	sadd.s32 $0xC00, s0;
	s10 =	sand.u32 $0x1, s5;
	s12 =	smul.u32 $0x14000, s21  }
0x8: {  	s11 =	sadd.s32 $0xAA00, s0;
	s0 =	sadd.s32 $0x14800, s0;
	s24 =	smul.u32 $0x2780, s21  }
0x9: {  	p0 =	seq.s32 s21, $0xF;
	_ =	strace $0x80000047;
	s19 =	smul.u32 $0x140000, s10  }
0xa: {  	s5 =	ssub.s32 $0x2, s10;
	s8 =	sshll.u32 s10, $0x4;
	s10 =	smul.u32 $0x27800, s10  }
0xb: {  	s7 =	sshrl.u32 s5, $0x1;
	s8 =	sor.u32 s21, s8;
	s6 =	sshrl.u32 s6, $0x2  }
0xc: {  	s14 =	sadd.s32 $0x4000, s12;
	s15 =	sadd.s32 $0x8000, s12;
	s16 =	sadd.s32 $0xC000, s12  }
0xd: {  	s17 =	sadd.s32 $0x10000, s12;
	s13 =	ssub.s32 s5, s7;
	s8 =	smul.u32 $0x2780, s8  }
0xe: {  	s25 =	sadd.s32 s6, s4;
	s5 =	sadd.s32 s14, s4;
	s6 =	sadd.s32 s15, s4  }
0xf: {  	s7 =	sadd.s32 s16, s4;
	s29 =	sadd.s32 s12, s19;
	s22 =	sadd.s32 s19, s14  }
0x10: {  	s23 =	sadd.s32 s19, s15;
	s16 =	sadd.s32 s19, s16;
	s10 =	sadd.s32 s24, s10  }
0x11: {  	[dreg:$0x5] =	wrdreg s25;
	s18 =	sshrl.u32 s8, $0x3;
	s8 =	sadd.s32 s17, s4  }
0x12: {  	s4 =	sadd.s32 s12, s4;
	s17 =	sadd.s32 s19, s17;
	s20 =	sadd.s32 s9, s18  }
0x13: {  	s12 =	sshrl.u32 s22, $0x3;
	s26 =	sadd.s32 s3, s18;
	[dreg:$0x6] =	wrdreg s20  }
0x14: {  	s22 =	sshrl.u32 s16, $0x3;
	s25 =	sadd.s32 s11, s18;
	[dreg:$0x7] =	wrdreg s26  }
0x15: {  	s19 =	sadd.s32 $0x10, s18;
	s12 =	sadd.s32 s0, s12;
	[dreg:$0x8] =	wrdreg s25  }
0x16: {  	s26 =	sshrl.u32 s29, $0x3;
	s29 =	sadd.s32 s9, s19;
	[dreg:$0xb] =	wrdreg s12  }
0x17: {  	s20 =	sshrl.u32 s23, $0x3;
	s23 =	sadd.s32 s0, s22;
	[dreg:$0x9] =	wrdreg s29  }
0x18: {  	s24 =	sshrl.u32 s17, $0x3;
	s25 =	sadd.s32 s3, s19;
	[dreg:$0xd] =	wrdreg s23  }
0x19: {  	s18 =	sadd.s32 s0, s26;
	s12 =	sadd.s32 s0, s20;
	[dreg:$0xf] =	wrdreg s25  }
0x1a: {  	s0 =	sadd.s32 s0, s24;
	s26 =	sadd.s32 $0x100, s10;
	[dreg:$0xa] =	wrdreg s18  }
0x1b: {  	s29 =	sadd.s32 s11, s19;
	s20 =	smax.u32 s13, $0x1;
	[dreg:$0xc] =	wrdreg s12  }
0x1c: {  	s24 =	simm.s32 $0x4300;
	s25 =	sshrl.u32 s4, $0x3;
	[dreg:$0xe] =	wrdreg s0  }
0x1d: {  	[dreg:$0x10] =	wrdreg s29;
	s0 =	sshrl.u32 s26, $0x3;
	s26 =	simm.s32 $0x3  }
0x1e: {  	v0 =	vimm.f32 $0.0e+00;
	s10 =	sadd.s32 s0, s11;
	s22 =	sadd.s32 s0, s3;
	s23 =	sadd.s32 s0, s9  }
.LBB2_1:
0x1f: {  	s0 =	simm.s32 $0x0;
	s3 =	simm.s32 $0x200  }
.LBB2_2:
0x20: {  	p1 =	sne.s32 s3, $0xFE00;
	[tilespmem:s0+$0x4370] =	vst v0  }
0x21: {  	[tilespmem:s0+$0x4300] =	vst v0  }
0x22: {  	[tilespmem:s0+$0x4310] =	vst v0  }
.Ltmp0:
0x23: {  	[tilespmem:s0+$0x4320] =	vst v0;
	(pc) =	sbr.rel @p1 .LBB2_2-.Ltmp0, $4  }
0x24: {  	[tilespmem:s0+$0x4330] =	vst v0  }
0x25: {  	[tilespmem:s0+$0x4340] =	vst v0  }
0x26: {  	[tilespmem:s0+$0x4350] =	vst v0  }
0x27: {  	[tilespmem:s0+$0x4360] =	vst v0;
	s0 =	sshra.s32 s3, $0x2;
	s3 =	sadd.s32 $0x200, s3  }
0x28: {  	[tilespmem:s0+$0x4370] =	vst v0  }
0x29: {  	[tilespmem:s0+$0x4300] =	vst v0  }
0x2a: {  	[tilespmem:s0+$0x4310] =	vst v0  }
0x2b: {  	[tilespmem:s0+$0x4320] =	vst v0  }
0x2c: {  	[tilespmem:s0+$0x4330] =	vst v0  }
0x2d: {  	[tilespmem:s0+$0x4340] =	vst v0  }
0x2e: {  	[tilespmem:s0+$0x4350] =	vst v0  }
0x2f: {  	[tilespmem:s0+$0x4360] =	vst v0;
	s18 =	rddreg [dreg:$0x5]  }
0x30: {  	[spmem:s18] =	stream.linear.scatter [tilespmem:s24], [sflag:$0x3], $0x4000, $0x38;
	[tilespmem:$0x1BF00] =	vst v63  }
0x31: {  	_ =	swait.ge [sflag:s26], $0x4000  }
0x32: {  	[sflag:s26] =	ssyncset.done $0x0  }
0x33: {  	[sflag:s26] =	ssyncadd.s32 $0xFFFFC000  }
0x34: {  	[spmem:s5] =	stream.linear.scatter [tilespmem:s24], [sflag:$0x3], $0x4000, $0x38;
	[tilespmem:$0x1BF00] =	vst v63  }
0x35: {  	_ =	swait.ge [sflag:s26], $0x4000  }
0x36: {  	[sflag:s26] =	ssyncset.done $0x0  }
0x37: {  	[sflag:s26] =	ssyncadd.s32 $0xFFFFC000  }
0x38: {  	[spmem:s6] =	stream.linear.scatter [tilespmem:s24], [sflag:$0x3], $0x4000, $0x38;
	[tilespmem:$0x1BF00] =	vst v63  }
0x39: {  	_ =	swait.ge [sflag:s26], $0x4000  }
0x3a: {  	[sflag:s26] =	ssyncset.done $0x0  }
0x3b: {  	[sflag:s26] =	ssyncadd.s32 $0xFFFFC000  }
0x3c: {  	[spmem:s7] =	stream.linear.scatter [tilespmem:s24], [sflag:$0x3], $0x4000, $0x38;
	[tilespmem:$0x1BF00] =	vst v63  }
0x3d: {  	_ =	swait.ge [sflag:s26], $0x4000  }
0x3e: {  	[sflag:s26] =	ssyncset.done $0x0  }
0x3f: {  	s0 =	simm.s32 @!p0 $0x4300;
	[sflag:s26] =	ssyncadd.s32 $0xFFFFC000  }
0x40: {  	[spmem:s8] =	stream.linear.scatter @!p0 [tilespmem:s0], [sflag:$0x3], $0x4000, $0x38;
	[tilespmem:$0x1BF00] =	vst v63  }
0x41: {  	s0 =	simm.s32 @!p0 $0x3  }
0x42: {  	_ =	swait.ge @!p0 [sflag:s0], $0x4000  }
0x43: {  	[sflag:s0] =	ssyncset.done @!p0 $0x0  }
0x44: {  	[sflag:s0] =	ssyncadd.s32 @!p0 $0xFFFFC000  }
0x45: {  	[bflag:$0x0] =	sbarrier.arrive $0xFFFF  }
0x46: {  	s19 =	rddreg [dreg:$0x6]  }
0x47: {  	[tilespmem:s2], [sflag:$0x1] =	stream.linear.gather [hbm4b:s19+s2], $0x80, $0x38;
	[tilespmem:$0x1BF00] =	vst v63  }
0x48: {  	s3 =	simm.s32 $0x80;
	s21 =	rddreg [dreg:$0x7]  }
0x49: {  	[tilespmem:s3], [sflag:$0x1] =	stream.linear.gather [hbm4b:s21+s2], $0x80, $0x38;
	[tilespmem:$0x1BF00] =	vst v63  }
0x4a: {  	s9 =	simm.s32 $0x200;
	s4 =	rddreg [dreg:$0x8]  }
0x4b: {  	[tilespmem:s9], [sflag:$0x1] =	stream.linear.gather [hbm4b:s4+s2], $0x80, $0x38;
	[tilespmem:$0x1BF00] =	vst v63  }
0x4c: {  	s12 =	simm.s32 $0x100;
	s11 =	rddreg [dreg:$0x9]  }
0x4d: {  	[tilespmem:s12], [sflag:$0x2] =	stream.linear.gather [hbm4b:s11+s2], $0x80, $0x38;
	[tilespmem:$0x1BF00] =	vst v63  }
0x4e: {  	s14 =	simm.s32 $0x180;
	s13 =	rddreg [dreg:$0xf]  }
0x4f: {  	[tilespmem:s14], [sflag:$0x2] =	stream.linear.gather [hbm4b:s13+s2], $0x80, $0x38;
	[tilespmem:$0x1BF00] =	vst v63  }
0x50: {  	s16 =	simm.s32 $0x280;
	s17 =	simm.s32 $0x1;
	s15 =	rddreg [dreg:$0x10]  }
0x51: {  	[tilespmem:s16], [sflag:$0x2] =	stream.linear.gather [hbm4b:s15+s2], $0x80, $0x38;
	[tilespmem:$0x1BF00] =	vst v63  }
0x52: {  	_ =	swait.ge [sflag:s17], $0x80  }
0x53: {  	[sflag:s17] =	ssyncset.done $0x0  }
0x54: {  	[sflag:s17] =	ssyncadd.s32 $0xFFFFFF80  }
0x55: {  	_ =	swait.ge [sflag:s17], $0x80  }
0x56: {  	[sflag:s17] =	ssyncset.done $0x0  }
0x57: {  	[sflag:s17] =	ssyncadd.s32 $0xFFFFFF80  }
0x58: {  	_ =	swait.ge [sflag:s17], $0x80  }
0x59: {  	[sflag:s17] =	ssyncset.done $0x0  }
0x5a: {  	s18 =	simm.s32 $0x300;
	[sflag:s17] =	ssyncadd.s32 $0xFFFFFF80  }
0x5b: {  	[tilespmem:s18], [sflag:$0x3] =	stream.indirect.gather [hbm4b:s1+s28], $0x40, s2, s28, $0xb8;
	[tilespmem:$0x1BF00] =	vst v63  }
0x5c: {  	s19 =	simm.s32 $0xB00;
	s12 =	simm.s32 $0x0  }
0x5d: {  	[tilespmem:s19], [sflag:$0x3] =	stream.indirect.gather [hbm4b:s1+s28], $0x40, s28, s28, $0xb8;
	[tilespmem:$0x1BF00] =	vst v63  }
0x5e: {  	s21 =	simm.s32 $0x40;
	s4 =	simm.s32 $0x1300;
	s3 =	sand.u32 $0x1, s12  }
0x5f: {  	[tilespmem:s4], [sflag:$0x3] =	stream.indirect.gather [hbm4b:s1+s28], $0x40, s21, s28, $0xb8;
	[tilespmem:$0x1BF00] =	vst v63  }
0x60: {  	s9 =	simm.s32 $0x60;
	s11 =	simm.s32 $0x1B00;
	s13 =	sadd.s32 $0x3, s3  }
0x61: {  	[tilespmem:s11], [sflag:$0x3] =	stream.indirect.gather [hbm4b:s1+s28], $0x40, s9, s28, $0xb8;
	[tilespmem:$0x1BF00] =	vst v63  }
0x62: {  	_ =	swait.ge [sflag:s13], $0x800  }
0x63: {  	[sflag:s13] =	ssyncset.done $0x0  }
0x64: {  	[sflag:s13] =	ssyncadd.s32 $0xFFFFF800  }
0x65: {  	_ =	swait.ge [sflag:s13], $0x800  }
0x66: {  	[sflag:s13] =	ssyncset.done $0x0  }
0x67: {  	[sflag:s13] =	ssyncadd.s32 $0xFFFFF800  }
0x68: {  	_ =	swait.ge [sflag:s13], $0x800  }
0x69: {  	[sflag:s13] =	ssyncset.done $0x0  }
0x6a: {  	[sflag:s13] =	ssyncadd.s32 $0xFFFFF800  }
0x6b: {  	_ =	swait.ge [sflag:s13], $0x800  }
0x6c: {  	s0 =	sand.u32 $0x1, s17;
	[sflag:s13] =	ssyncset.done $0x0  }
0x6d: {  	s14 =	sadd.s32 $0x1, s0;
	[sflag:s13] =	ssyncadd.s32 $0xFFFFF800  }
0x6e: {  	_ =	swait.ge [sflag:s14], $0x80  }
0x6f: {  	[sflag:s14] =	ssyncset.done $0x0  }
0x70: {  	[sflag:s14] =	ssyncadd.s32 $0xFFFFFF80  }
0x71: {  	_ =	swait.ge [sflag:s14], $0x80  }
0x72: {  	[sflag:s14] =	ssyncset.done $0x0  }
0x73: {  	[sflag:s14] =	ssyncadd.s32 $0xFFFFFF80  }
0x74: {  	_ =	swait.ge [sflag:s14], $0x80  }
0x75: {  	s9 =	sshll.u32 s0, $0xD;
	s11 =	sadd.s32 $0x3, s0;
	[sflag:s14] =	ssyncset.done $0x0  }
0x76: {  	s0 =	sshll.u32 s0, $0x8;
	s15 =	sor.u32 $0x300, s9;
	[sflag:s14] =	ssyncadd.s32 $0xFFFFFF80  }
0x77: {  	[tilespmem:s15], [sflag:s11] =	stream.indirect.gather [hbm4b:s1+s28], $0x40, s0, s28, $0xb8;
	[tilespmem:$0x1BF00] =	vst v63  }
0x78: {  	s29 =	sadd.s32 $0x10, s23;
	s16 =	sor.u32 $0xB00, s9;
	s12 =	sor.u32 $0x20, s0  }
0x79: {  	[tilespmem:s16], [sflag:s11] =	stream.indirect.gather [hbm4b:s1+s28], $0x40, s12, s28, $0xb8;
	[tilespmem:$0x1BF00] =	vst v63  }
0x7a: {  	s21 =	sshll.u32 s3, $0x8;
	s17 =	sor.u32 $0x1300, s9;
	s18 =	sor.u32 $0x40, s0  }
0x7b: {  	[tilespmem:s17], [sflag:s11] =	stream.indirect.gather [hbm4b:s1+s28], $0x40, s18, s28, $0xb8;
	[tilespmem:$0x1BF00] =	vst v63  }
0x7c: {  	s4 =	simm.s32 $0x2;
	s19 =	sor.u32 $0x1B00, s9;
	s0 =	sor.u32 $0x60, s0  }
0x7d: {  	[tilespmem:s19], [sflag:s11] =	stream.indirect.gather [hbm4b:s1+s28], $0x40, s0, s28, $0xb8;
	[tilespmem:$0x1BF00] =	vst v63  }
0x7e: {  	s13 =	simm.s32 $0x1;
	s15 =	sadd.s32 $0x1, s3;
	s3 =	sshll.u32 s3, $0x7  }
0x7f: {  	[tilespmem:s21], [sflag:s15] =	stream.linear.gather [hbm4b:s23+s2], $0x80, $0x38;
	[tilespmem:$0x1BF00] =	vst v63  }
0x80: {  	s9 =	sor.u32 $0x200, s3;
	s3 =	sadd.s32 $0x10, s22;
	s0 =	sor.u32 $0x80, s21  }
0x81: {  	[tilespmem:s0], [sflag:s15] =	stream.linear.gather [hbm4b:s22+s2], $0x80, $0x38;
	[tilespmem:$0x1BF00] =	vst v63  }
0x82: {  	s11 =	simm.s32 $0x3;
	s21 =	smov.u32 s10;
	s0 =	smov.u32 s10  }
.LBB2_4:
0x83: {  	s13 =	sand.u32 $0x1, s13;
	s21 =	sadd.s32 $0x10, s21;
	s17 =	smov.u32 s11  }
0x84: {  	s16 =	sadd.s32 $0x1, s11;
	s14 =	smov.u32 s29;
	s12 =	smov.u32 s3  }
0x85: {  	p1 =	sne.s32 s11, $0x4D;
	s11 =	sadd.s32 $0x3, s13;
	s18 =	sshll.u32 s13, $0x7  }
0x86: {  	[tilespmem:s9], [sflag:s15] =	stream.linear.gather [hbm4b:s0+s2], $0x80, $0x38;
	[tilespmem:$0x1BF00] =	vst v63  }
0x87: {  	s9 =	sor.u32 $0x200, s18;
	s0 =	smov.u32 s21;
	_ =	swait.ge [sflag:s11], $0x800  }
0x88: {  	[sflag:s11] =	ssyncset.done $0x0  }
0x89: {  	[sflag:s11] =	ssyncadd.s32 $0xFFFFF800  }
0x8a: {  	_ =	swait.ge [sflag:s11], $0x800  }
0x8b: {  	[sflag:s11] =	ssyncset.done $0x0  }
0x8c: {  	[sflag:s11] =	ssyncadd.s32 $0xFFFFF800  }
0x8d: {  	_ =	swait.ge [sflag:s11], $0x800  }
0x8e: {  	[sflag:s11] =	ssyncset.done $0x0  }
0x8f: {  	[sflag:s11] =	ssyncadd.s32 $0xFFFFF800  }
0x90: {  	_ =	swait.ge [sflag:s11], $0x800  }
0x91: {  	s15 =	sand.u32 $0x1, s4;
	s4 =	smov.u32 s17;
	[sflag:s11] =	ssyncset.done $0x0  }
0x92: {  	s17 =	sshll.u32 s15, $0xD;
	[sflag:s11] =	ssyncadd.s32 $0xFFFFF800;
	s11 =	sadd.s32 $0x1, s15  }
0x93: {  	_ =	swait.ge [sflag:s11], $0x80  }
0x94: {  	[sflag:s11] =	ssyncset.done $0x0  }
0x95: {  	[sflag:s11] =	ssyncadd.s32 $0xFFFFFF80  }
0x96: {  	_ =	swait.ge [sflag:s11], $0x80  }
0x97: {  	[sflag:s11] =	ssyncset.done $0x0  }
0x98: {  	[sflag:s11] =	ssyncadd.s32 $0xFFFFFF80  }
0x99: {  	_ =	swait.ge [sflag:s11], $0x80  }
0x9a: {  	s18 =	sadd.s32 $0x3, s15;
	[sflag:s11] =	ssyncset.done $0x0  }
0x9b: {  	s15 =	sshll.u32 s15, $0x8;
	[sflag:s11] =	ssyncadd.s32 $0xFFFFFF80;
	s11 =	sor.u32 $0x300, s17  }
0x9c: {  	[tilespmem:s11], [sflag:s18] =	stream.indirect.gather [hbm4b:s1+s28], $0x40, s15, s28, $0xb8;
	[tilespmem:$0x1BF00] =	vst v63  }
0x9d: {  	s19 =	sor.u32 $0x20, s15;
	s11 =	sor.u32 $0xB00, s17  }
0x9e: {  	[tilespmem:s11], [sflag:s18] =	stream.indirect.gather [hbm4b:s1+s28], $0x40, s19, s28, $0xb8;
	[tilespmem:$0x1BF00] =	vst v63  }
0x9f: {  	s11 =	sor.u32 $0x1300, s17;
	s19 =	sor.u32 $0x40, s15  }
0xa0: {  	[tilespmem:s11], [sflag:s18] =	stream.indirect.gather [hbm4b:s1+s28], $0x40, s19, s28, $0xb8;
	[tilespmem:$0x1BF00] =	vst v63  }
0xa1: {  	s29 =	sadd.s32 $0x10, s29;
	s15 =	sor.u32 $0x60, s15;
	s11 =	sor.u32 $0x1B00, s17  }
0xa2: {  	[tilespmem:s11], [sflag:s18] =	stream.indirect.gather [hbm4b:s1+s28], $0x40, s15, s28, $0xb8;
	[tilespmem:$0x1BF00] =	vst v63  }
.Ltmp1:
0xa3: {  	s15 =	sadd.s32 $0x1, s13;
	s11 =	sshll.u32 s13, $0x8;
	(pc) =	sbr.rel @p1 .LBB2_4-.Ltmp1, $4  }
0xa4: {  	[tilespmem:s11], [sflag:s15] =	stream.linear.gather [hbm4b:s14+s2], $0x80, $0x38;
	[tilespmem:$0x1BF00] =	vst v63  }
0xa5: {  	s3 =	sadd.s32 $0x10, s3;
	s13 =	sadd.s32 $0xFFFFFFFF, s4;
	s11 =	sor.u32 $0x80, s11  }
0xa6: {  	[tilespmem:s11], [sflag:s15] =	stream.linear.gather [hbm4b:s12+s2], $0x80, $0x38;
	[tilespmem:$0x1BF00] =	vst v63  }
0xa7: {  	s11 =	smov.u32 s16  }
0xa8: {  	s12 =	sand.u32 $0x1, s13  }
0xa9: {  	[tilespmem:s9], [sflag:s15] =	stream.linear.gather [hbm4b:s0+s2], $0x80, $0x38;
	[tilespmem:$0x1BF00] =	vst v63  }
0xaa: {  	s11 =	sadd.s32 $0x3, s12  }
0xab: {  	_ =	swait.ge [sflag:s11], $0x800  }
0xac: {  	[sflag:s11] =	ssyncset.done $0x0  }
0xad: {  	[sflag:s11] =	ssyncadd.s32 $0xFFFFF800  }
0xae: {  	_ =	swait.ge [sflag:s11], $0x800  }
0xaf: {  	[sflag:s11] =	ssyncset.done $0x0  }
0xb0: {  	[sflag:s11] =	ssyncadd.s32 $0xFFFFF800  }
0xb1: {  	_ =	swait.ge [sflag:s11], $0x800  }
0xb2: {  	[sflag:s11] =	ssyncset.done $0x0  }
0xb3: {  	[sflag:s11] =	ssyncadd.s32 $0xFFFFF800  }
0xb4: {  	_ =	swait.ge [sflag:s11], $0x800  }
0xb5: {  	s17 =	sand.u32 $0x1, s4;
	[sflag:s11] =	ssyncset.done $0x0  }
0xb6: {  	s4 =	sadd.s32 $0x1, s17;
	[sflag:s11] =	ssyncadd.s32 $0xFFFFF800  }
0xb7: {  	_ =	swait.ge [sflag:s4], $0x80  }
0xb8: {  	[sflag:s4] =	ssyncset.done $0x0  }
0xb9: {  	[sflag:s4] =	ssyncadd.s32 $0xFFFFFF80  }
0xba: {  	_ =	swait.ge [sflag:s4], $0x80  }
0xbb: {  	[sflag:s4] =	ssyncset.done $0x0  }
0xbc: {  	[sflag:s4] =	ssyncadd.s32 $0xFFFFFF80  }
0xbd: {  	_ =	swait.ge [sflag:s4], $0x80  }
0xbe: {  	s18 =	sshll.u32 s17, $0xD;
	s19 =	sadd.s32 $0x3, s17;
	[sflag:s4] =	ssyncset.done $0x0  }
0xbf: {  	s0 =	sshll.u32 s17, $0x8;
	s14 =	sor.u32 $0x300, s18;
	[sflag:s4] =	ssyncadd.s32 $0xFFFFFF80  }
0xc0: {  	[tilespmem:s14], [sflag:s19] =	stream.indirect.gather [hbm4b:s1+s28], $0x40, s0, s28, $0xb8;
	[tilespmem:$0x1BF00] =	vst v63  }
0xc1: {  	s15 =	sor.u32 $0xB00, s18;
	s14 =	sor.u32 $0x20, s0  }
0xc2: {  	[tilespmem:s15], [sflag:s19] =	stream.indirect.gather [hbm4b:s1+s28], $0x40, s14, s28, $0xb8;
	[tilespmem:$0x1BF00] =	vst v63  }
0xc3: {  	s16 =	sor.u32 $0x1300, s18;
	s17 =	sor.u32 $0x40, s0  }
0xc4: {  	[tilespmem:s16], [sflag:s19] =	stream.indirect.gather [hbm4b:s1+s28], $0x40, s17, s28, $0xb8;
	[tilespmem:$0x1BF00] =	vst v63  }
0xc5: {  	s18 =	sor.u32 $0x1B00, s18;
	s0 =	sor.u32 $0x60, s0  }
0xc6: {  	[tilespmem:s18], [sflag:s19] =	stream.indirect.gather [hbm4b:s1+s28], $0x40, s0, s28, $0xb8;
	[tilespmem:$0x1BF00] =	vst v63  }
0xc7: {  	s4 =	sshll.u32 s12, $0x8;
	s19 =	sadd.s32 $0x1, s12  }
0xc8: {  	[tilespmem:s4], [sflag:s19] =	stream.linear.gather [hbm4b:s29+s2], $0x80, $0x38;
	[tilespmem:$0x1BF00] =	vst v63  }
0xc9: {  	s13 =	sor.u32 $0x80, s4;
	s14 =	sshll.u32 s12, $0x7  }
0xca: {  	[tilespmem:s13], [sflag:s19] =	stream.linear.gather [hbm4b:s3+s2], $0x80, $0x38;
	[tilespmem:$0x1BF00] =	vst v63  }
0xcb: {  	s15 =	sadd.s32 $0x10, s21;
	s3 =	sor.u32 $0x200, s14  }
0xcc: {  	[tilespmem:s3], [sflag:s19] =	stream.linear.gather [hbm4b:s15+s2], $0x80, $0x38;
	[tilespmem:$0x1BF00] =	vst v63  }
0xcd: {  	_ =	swait.ge [sflag:s30], $0x800  }
0xce: {  	[sflag:s30] =	ssyncset.done $0x0  }
0xcf: {  	[sflag:s30] =	ssyncadd.s32 $0xFFFFF800  }
0xd0: {  	_ =	swait.ge [sflag:s30], $0x800  }
0xd1: {  	[sflag:s30] =	ssyncset.done $0x0  }
0xd2: {  	[sflag:s30] =	ssyncadd.s32 $0xFFFFF800  }
0xd3: {  	_ =	swait.ge [sflag:s30], $0x800  }
0xd4: {  	[sflag:s30] =	ssyncset.done $0x0  }
0xd5: {  	[sflag:s30] =	ssyncadd.s32 $0xFFFFF800  }
0xd6: {  	_ =	swait.ge [sflag:s30], $0x800  }
0xd7: {  	[sflag:s30] =	ssyncset.done $0x0  }
0xd8: {  	[sflag:s30] =	ssyncadd.s32 $0xFFFFF800  }
0xd9: {  	_ =	swait.ge [sflag:s19], $0x80  }
0xda: {  	[sflag:s19] =	ssyncset.done $0x0  }
0xdb: {  	[sflag:s19] =	ssyncadd.s32 $0xFFFFFF80  }
0xdc: {  	_ =	swait.ge [sflag:s19], $0x80  }
0xdd: {  	[sflag:s19] =	ssyncset.done $0x0  }
0xde: {  	[sflag:s19] =	ssyncadd.s32 $0xFFFFFF80  }
0xdf: {  	_ =	swait.ge [sflag:s19], $0x80  }
0xe0: {  	s16 =	sshll.u32 s12, $0xD;
	[sflag:s19] =	ssyncset.done $0x0  }
0xe1: {  	s17 =	sor.u32 $0x300, s16;
	[sflag:s19] =	ssyncadd.s32 $0xFFFFFF80  }
0xe2: {  	[tilespmem:s17], [sflag:s11] =	stream.indirect.gather [hbm4b:s1+s28], $0x40, s4, s28, $0xb8;
	[tilespmem:$0x1BF00] =	vst v63  }
0xe3: {  	s18 =	sor.u32 $0xB00, s16;
	s19 =	sadd.s32 $0x20, s4  }
0xe4: {  	[tilespmem:s18], [sflag:s11] =	stream.indirect.gather [hbm4b:s1+s28], $0x40, s19, s28, $0xb8;
	[tilespmem:$0x1BF00] =	vst v63  }
0xe5: {  	s21 =	sor.u32 $0x1300, s16;
	s29 =	sadd.s32 $0x40, s4  }
0xe6: {  	[tilespmem:s21], [sflag:s11] =	stream.indirect.gather [hbm4b:s1+s28], $0x40, s29, s28, $0xb8;
	[tilespmem:$0x1BF00] =	vst v63  }
0xe7: {  	s12 =	sor.u32 $0x1B00, s16;
	s13 =	sadd.s32 $0x60, s4  }
0xe8: {  	[tilespmem:s12], [sflag:s11] =	stream.indirect.gather [hbm4b:s1+s28], $0x40, s13, s28, $0xb8;
	[tilespmem:$0x1BF00] =	vst v63  }
0xe9: {  	_ =	swait.ge [sflag:s26], $0x800  }
0xea: {  	[sflag:s26] =	ssyncset.done $0x0  }
0xeb: {  	[sflag:s26] =	ssyncadd.s32 $0xFFFFF800  }
0xec: {  	_ =	swait.ge [sflag:s26], $0x800  }
0xed: {  	[sflag:s26] =	ssyncset.done $0x0  }
0xee: {  	[sflag:s26] =	ssyncadd.s32 $0xFFFFF800  }
0xef: {  	_ =	swait.ge [sflag:s26], $0x800  }
0xf0: {  	[sflag:s26] =	ssyncset.done $0x0  }
0xf1: {  	[sflag:s26] =	ssyncadd.s32 $0xFFFFF800  }
0xf2: {  	_ =	swait.ge [sflag:s26], $0x800  }
0xf3: {  	[sflag:s26] =	ssyncset.done $0x0  }
0xf4: {  	s14 =	stileid.u32;
	[sflag:s26] =	ssyncadd.s32 $0xFFFFF800  }
0xf5: {  	s0 =	sshll.u32 s14, $0x6;
	[bflag:$0x0] =	sbarrier.arrive $0xFFFF  }
0xf6: {  	s0 =	sor.u32 $0x1C04, s0;
	s15 =	rddreg [dreg:$0xa]  }
0xf7: {  	[hbm:s15], [sflag:s0] =	dma.local [spmem:s25], $0x800  }
0xf8: {  	_ =	swait.ge [sflag:s30], $0x800  }
0xf9: {  	[sflag:s30] =	ssyncset.done $0x0  }
0xfa: {  	s16 =	sshrl.u32 s5, $0x3;
	s17 =	rddreg [dreg:$0xb];
	[sflag:s30] =	ssyncadd.s32 $0xFFFFF800  }
0xfb: {  	[hbm:s17], [sflag:s0] =	dma.local [spmem:s16], $0x800  }
0xfc: {  	_ =	swait.ge [sflag:s30], $0x800  }
0xfd: {  	[sflag:s30] =	ssyncset.done $0x0  }
0xfe: {  	s18 =	sshrl.u32 s6, $0x3;
	s19 =	rddreg [dreg:$0xc];
	[sflag:s30] =	ssyncadd.s32 $0xFFFFF800  }
0xff: {  	[hbm:s19], [sflag:s0] =	dma.local [spmem:s18], $0x800  }
0x100: {  	_ =	swait.ge [sflag:s30], $0x800  }
0x101: {  	[sflag:s30] =	ssyncset.done $0x0  }
0x102: {  	s21 =	sshrl.u32 s7, $0x3;
	s29 =	rddreg [dreg:$0xd];
	[sflag:s30] =	ssyncadd.s32 $0xFFFFF800  }
0x103: {  	[hbm:s29], [sflag:s0] =	dma.local [spmem:s21], $0x800  }
0x104: {  	s31 =	sadd.s32 $0x1, s31;
	_ =	swait.ge [sflag:s30], $0x800  }
0x105: {  	p1 =	sne.s32 s31, s20;
	[sflag:s30] =	ssyncset.done $0x0  }
0x106: {  	s3 =	sshrl.u32 @!p0 s8, $0x3;
	s4 =	rddreg [dreg:$0xe];
	[sflag:s30] =	ssyncadd.s32 $0xFFFFF800  }
0x107: {  	[hbm:s4], [sflag:s0] =	dma.local @!p0 [spmem:s3], $0x800  }
.Ltmp2:
0x108: {  	_ = 	snop;
	(pc) =	sbr.rel @p1 .LBB2_1-.Ltmp2, $4  }
0x109: {  	s0 =	simm.s32 @!p0 $0x4  }
0x10a: {  	_ =	swait.ge @!p0 [sflag:s0], $0x800  }
0x10b: {  	[sflag:s0] =	ssyncset.done @!p0 $0x0  }
0x10c: {  	[sflag:s0] =	ssyncadd.s32 @!p0 $0xFFFFF800  }
0x10d: {  	_ =	sfence.sel $0x180000  }
0x10e: {  	[bflag:$0x0] =	sbarrier.arrive $0xFFFF  }
0x10f: {  	_ =	strace $0x90000047  }
0x110: {  	s0 =	stileid.u32;
	[bflag:$0x2] =	sbarrier.arrive $0xFFFF  }
0x111: {  	p0 =	sne.s32 s0, $0x0;
	s0 =	rddreg [dreg:$0x4]  }
0x112: {  	s0 =	sadd.s32 @!p0 $0x100000, s0  }
0x113: {  	[sflag:s0] =	ssyncadd.tile.s32 @!p0 $0x1;
	_ =	shalt  }
.Lfunc_end2:
_tile_overlayer_lowered:
.L_overlay_start_2:
0x114: {  	(tag) =	ssettag $0x2  }
0x115: {  	s0 =	rddreg [dreg:$0x0];
	s2 =	stileid.u32  }
0x116: {  	s1 =	rddreg [dreg:$0x1];
	p0 =	sne.s32 s2, $0x0  }
0x117: {  	s3 =	rddreg [dreg:$0x2];
	[bflag:$0x3] =	sbarrier.arrive $0xFFFF;
	s2 =	simm.s32 @!p0 $0x1C05  }
0x118: {  	[timem:s3], [sflag:s2] =	dma.local @!p0 [hbm:s0], s1  }
0x119: {  	s0 =	simm.s32 @!p0 $0x5  }
0x11a: {  	_ =	swait.ge @!p0 [sflag:s0], s1  }
0x11b: {  	s1 =	ssub.s32 @!p0 $0x0, s1;
	[sflag:s0] =	ssyncset.done @!p0 $0x0  }
0x11c: {  	[sflag:s0] =	ssyncadd.s32 @!p0 s1  }
0x11d: {  	[bflag:$0x3] =	sbarrier.arrive $0xFFFF  }
0x11e: {  	_ =	shalt  }

</sc_bundles>
